<compile_context>
chip_gen: v7x
topology: tpu7x:2x2x1
jax: 0.10.2.dev20260603
libtpu: 0.0.44.dev20260713+nightly
codegen_flags: <defaults>
</compile_context>

<pallas_src>
import functools

import jax
import jax.numpy as jnp
from jax import lax
from jax.experimental import pallas as pl
from jax.experimental.pallas import tpu as pltpu
from jax.experimental.pallas import tpu_sc as plsc

N = 8192
HID = 64
K_NN = 36
N_CLS = 17
TBL = 256

PROJ_B = 512
TOPK_B = 256
MLP_B = 256

NUM_WORKERS = 32
GATHER_CHUNK = 128


def _proj_body(feat_ref, wq_ref, wk_ref, wv_ref, wp1_ref, q_ref, pq_ref,
               tbl_ref):
  f = feat_ref[...]
  q_ref[...] = jnp.dot(f, wq_ref[...], preferred_element_type=jnp.float32)
  kf = jnp.dot(f, wk_ref[...], preferred_element_type=jnp.float32)
  vf = jnp.dot(f, wv_ref[...], preferred_element_type=jnp.float32)
  p = jnp.dot(f[:, 0:3], wp1_ref[...], preferred_element_type=jnp.float32)
  pq_ref[...] = p
  tbl_ref[:, 0:HID] = kf
  tbl_ref[:, HID:2 * HID] = vf
  tbl_ref[:, 2 * HID:3 * HID] = p
  tbl_ref[:, 3 * HID:TBL] = jnp.zeros((f.shape[0], HID), jnp.float32)


def _proj(feat, w_q, w_k, w_v, w_pos1):
  grid = (N // PROJ_B,)
  return pl.pallas_call(
      _proj_body,
      grid=grid,
      in_specs=[
          pl.BlockSpec((PROJ_B, 6), lambda b: (b, 0)),
          pl.BlockSpec((6, HID), lambda b: (0, 0)),
          pl.BlockSpec((6, HID), lambda b: (0, 0)),
          pl.BlockSpec((6, HID), lambda b: (0, 0)),
          pl.BlockSpec((3, HID), lambda b: (0, 0)),
      ],
      out_specs=[
          pl.BlockSpec((PROJ_B, HID), lambda b: (b, 0)),
          pl.BlockSpec((PROJ_B, HID), lambda b: (b, 0)),
          pl.BlockSpec((PROJ_B, TBL), lambda b: (b, 0)),
      ],
      out_shape=[
          jax.ShapeDtypeStruct((N, HID), jnp.float32),
          jax.ShapeDtypeStruct((N, HID), jnp.float32),
          jax.ShapeDtypeStruct((N, TBL), jnp.float32),
      ],
  )(feat, w_q, w_k, w_v, w_pos1)


POOL_T = 6


def _flat_topk(d, qn):
  iota = lax.broadcasted_iota(jnp.int32, (qn, N), 1)
  kiota = lax.broadcasted_iota(jnp.int32, (qn, K_NN), 1)
  idxbuf = jnp.zeros((qn, K_NN), jnp.int32)

  def body(r, carry):
    d, idxbuf = carry
    m = jnp.min(d, axis=1, keepdims=True)
    j = jnp.min(jnp.where(d <= m, iota, N), axis=1, keepdims=True)
    idxbuf = jnp.where(kiota == r, j, idxbuf)
    d = jnp.where(iota == j, jnp.inf, d)
    return d, idxbuf

  _, idxbuf = lax.fori_loop(0, K_NN, body, (d, idxbuf))
  return idxbuf


def _topk_body(xq_ref, xyzt_ref, idx_ref):
  qn = TOPK_B
  ns = N // 128
  ng = 128
  xq = xq_ref[...]
  xt = xyzt_ref[...]
  sqc = jnp.sum(xt * xt, axis=0, keepdims=True)
  d = sqc - 2.0 * jnp.dot(xq, xt, preferred_element_type=jnp.float32)
  d3 = d.reshape(qn, ns, ng)
  siota3 = lax.broadcasted_iota(jnp.int32, (qn, ns, ng), 1).astype(jnp.float32)
  kiota = lax.broadcasted_iota(jnp.int32, (qn, K_NN), 1)
  giota = lax.broadcasted_iota(jnp.int32, (qn, ng), 1).astype(jnp.float32)

  masked = d3
  ms, jids = [], []
  for _ in range(POOL_T):
    mt = jnp.min(masked, axis=1)
    hit = masked == mt[:, None, :]
    at = jnp.min(jnp.where(hit, siota3, float(ns)), axis=1)
    masked = jnp.where(hit & (siota3 == at[:, None, :]), jnp.inf, masked)
    ms.append(mt)
    jids.append(at * ng + giota)
  pool = jnp.concatenate(ms, axis=1)
  jpool = jnp.concatenate(jids, axis=1)
  pw = ng * POOL_T
  big = jnp.float32(N)
  idxbuf = jnp.zeros((qn, K_NN), jnp.float32)

  def body(r, carry):
    pool, idxbuf = carry
    m = jnp.min(pool, axis=1, keepdims=True)
    j = jnp.min(jnp.where(pool <= m, jpool, big), axis=1, keepdims=True)
    idxbuf = jnp.where(kiota == r, j, idxbuf)
    pool = jnp.where(jpool == j, jnp.inf, pool)
    return pool, idxbuf

  pool, idxbuf = lax.fori_loop(0, K_NN, body, (pool, idxbuf))
  idx_ref[...] = idxbuf.astype(jnp.int32)

  @pl.when(jnp.any(pool[:, (POOL_T - 1) * ng:] == jnp.inf))
  def _():
    idx_ref[...] = _flat_topk(d, qn)


def _topk(xyz, xyzt, nq):
  grid = (nq // TOPK_B,)
  return pl.pallas_call(
      _topk_body,
      grid=grid,
      in_specs=[
          pl.BlockSpec((TOPK_B, 3), lambda b: (b, 0)),
          pl.BlockSpec((3, N), lambda b: (0, 0)),
      ],
      out_specs=pl.BlockSpec((TOPK_B, K_NN), lambda b: (b, 0)),
      out_shape=jax.ShapeDtypeStruct((nq, K_NN), jnp.int32),
  )(xyz, xyzt)


def _gather(tbl, flat_idx):
  b_total = flat_idx.shape[0]
  b_per_w = b_total // NUM_WORKERS
  n_chunks = b_per_w // GATHER_CHUNK
  mesh = plsc.VectorSubcoreMesh(core_axis_name="c", subcore_axis_name="s")

  @functools.partial(
      pl.kernel,
      out_type=jax.ShapeDtypeStruct((b_total, TBL), jnp.float32),
      mesh=mesh,
      scratch_types=[
          pltpu.VMEM((GATHER_CHUNK,), jnp.int32),
          pltpu.VMEM((GATHER_CHUNK, TBL), jnp.float32),
          pltpu.SemaphoreType.DMA,
      ],
  )
  def gk(tbl_hbm, idx_hbm, out_hbm, idx_v, rows_v, sem):
    wid = lax.axis_index("s") * 2 + lax.axis_index("c")
    base = wid * b_per_w

    def body(i, carry):
      off = base + i * GATHER_CHUNK
      pltpu.sync_copy(idx_hbm.at[pl.ds(off, GATHER_CHUNK)], idx_v)
      pltpu.async_copy(tbl_hbm.at[idx_v], rows_v, sem).wait()
      pltpu.sync_copy(rows_v, out_hbm.at[pl.ds(off, GATHER_CHUNK)])
      return carry

    lax.fori_loop(0, n_chunks, body, 0)

  return gk(tbl, flat_idx)


def _mlp_body(g_ref, q_ref, pq_ref, bp1_ref, wp2_ref, bp2_ref,
              wa1_ref, ba1_ref, wa2_ref, ba2_ref, wc_ref, bc_ref, sem_ref):
  g = g_ref[...]
  nb = MLP_B
  kf = g[:, :, 0:HID].reshape(K_NN * nb, HID)
  vf = g[:, :, HID:2 * HID].reshape(K_NN * nb, HID)
  pj = g[:, :, 2 * HID:3 * HID]
  pq = pq_ref[...]
  h = pj - pq[None, :, :] + bp1_ref[...].reshape(1, 1, HID)
  ph = jnp.maximum(h, 0.0).reshape(K_NN * nb, HID)
  pos = (jnp.dot(ph, wp2_ref[...], preferred_element_type=jnp.float32)
         + bp2_ref[...])
  q = q_ref[...]
  qrep = jnp.broadcast_to(q[None, :, :], (K_NN, nb, HID)).reshape(
      K_NN * nb, HID)
  a0 = qrep - kf + pos
  ah = jnp.maximum(
      jnp.dot(a0, wa1_ref[...], preferred_element_type=jnp.float32)
      + ba1_ref[...], 0.0)
  al = (jnp.dot(ah, wa2_ref[...], preferred_element_type=jnp.float32)
        + ba2_ref[...]).reshape(K_NN, nb, HID)
  m = jnp.max(al, axis=0, keepdims=True)
  e = jnp.exp(al - m)
  s = jnp.sum(e, axis=0, keepdims=True)
  attn = e / s
  vp = vf + pos
  out = jnp.sum(attn * vp.reshape(K_NN, nb, HID), axis=0)
  sem_ref[...] = (jnp.dot(out, wc_ref[...], preferred_element_type=jnp.float32)
                  + bc_ref[...])


def _mlp(g3, q, pq, bp1, wp2, bp2, wa1, ba1, wa2, ba2, wc, bc):
  nq = q.shape[0]
  grid = (nq // MLP_B,)
  full = lambda r, c: pl.BlockSpec((r, c), lambda b: (0, 0))
  return pl.pallas_call(
      _mlp_body,
      grid=grid,
      in_specs=[
          pl.BlockSpec((K_NN, MLP_B, TBL), lambda b: (0, b, 0)),
          pl.BlockSpec((MLP_B, HID), lambda b: (b, 0)),
          pl.BlockSpec((MLP_B, HID), lambda b: (b, 0)),
          full(1, HID), full(HID, HID), full(1, HID),
          full(HID, HID), full(1, HID), full(HID, HID), full(1, HID),
          full(HID, N_CLS), full(1, N_CLS),
      ],
      out_specs=pl.BlockSpec((MLP_B, N_CLS), lambda b: (b, 0)),
      out_shape=jax.ShapeDtypeStruct((nq, N_CLS), jnp.float32),
  )(g3, q, pq, bp1, wp2, bp2, wa1, ba1, wa2, ba2, wc, bc)


def kernel(feat, w_q, w_k, w_v, w_pos1, b_pos1, w_pos2, b_pos2,
           w_attn1, b_attn1, w_attn2, b_attn2, w_cls, b_cls):
  xyz = feat[:, :3]
  xyzt = xyz.T
  q, pq, tbl = _proj(feat, w_q, w_k, w_v, w_pos1)
  r1 = lambda b: b.reshape(1, -1)
  nh = N // 4
  slices = [slice(h * nh, (h + 1) * nh) for h in range(4)]
  idxs = [_topk(xyz[rows], xyzt, nh) for rows in slices]
  gaths = [_gather(tbl, idx.T.reshape(-1)) for idx in idxs]
  outs = [
      _mlp(g.reshape(K_NN, nh, TBL), q[rows], pq[rows], r1(b_pos1), w_pos2,
           r1(b_pos2), w_attn1, r1(b_attn1), w_attn2, r1(b_attn2),
           w_cls, r1(b_cls))
      for g, rows in zip(gaths, slices)
  ]
  return jnp.concatenate(outs, axis=0)

# --- scband reference (transcript-rebuilt; emitter-appended) ---
"""Pipeline reference for scband-point-transformer-2388001816770 (READ-ONLY COPY).

The authoritative reference and input builder live on the scoring server;
editing this copy changes nothing except your own understanding.
"""

import jax, jax.numpy as jnp
import numpy as np

N = 8192
D_IN = 6
HID = 64
K_NN = 36
N_CLS = 17


def setup_inputs(seed: int = 0) -> dict:
    key = jax.random.key(seed)
    ks = jax.random.split(key, 16)
    feat = jax.random.normal(ks[0], (N, D_IN), dtype=jnp.float32)
    s_in = 1.0 / np.sqrt(D_IN)
    s_h = 1.0 / np.sqrt(HID)
    s_p = 1.0 / np.sqrt(3)
    return {
        'feat': feat,
        'w_q': jax.random.normal(ks[1], (D_IN, HID), dtype=jnp.float32) * s_in,
        'w_k': jax.random.normal(ks[2], (D_IN, HID), dtype=jnp.float32) * s_in,
        'w_v': jax.random.normal(ks[3], (D_IN, HID), dtype=jnp.float32) * s_in,
        'w_pos1': jax.random.normal(ks[4], (3, HID), dtype=jnp.float32) * s_p,
        'b_pos1': jnp.zeros((HID,), dtype=jnp.float32),
        'w_pos2': jax.random.normal(ks[5], (HID, HID), dtype=jnp.float32) * s_h,
        'b_pos2': jnp.zeros((HID,), dtype=jnp.float32),
        'w_attn1': jax.random.normal(ks[6], (HID, HID), dtype=jnp.float32) * s_h,
        'b_attn1': jnp.zeros((HID,), dtype=jnp.float32),
        'w_attn2': jax.random.normal(ks[7], (HID, HID), dtype=jnp.float32) * s_h,
        'b_attn2': jnp.zeros((HID,), dtype=jnp.float32),
        'w_cls': jax.random.normal(ks[8], (HID, N_CLS), dtype=jnp.float32) * s_h,
        'b_cls': jnp.zeros((N_CLS,), dtype=jnp.float32),
    }


def _knn_idx(xyz, k):
    sq = jnp.sum(xyz * xyz, axis=1)
    d2 = sq[:, None] + sq[None, :] - 2.0 * (xyz @ xyz.T)
    _, idx = jax.lax.top_k(-d2, k)
    return idx


def reference(feat, w_q, w_k, w_v, w_pos1, b_pos1, w_pos2, b_pos2,
              w_attn1, b_attn1, w_attn2, b_attn2, w_cls, b_cls):
    xyz = feat[:, :3]
    idx = _knn_idx(xyz, K_NN)  # [N, K] kNN retrieval
    q = feat @ w_q             # [N, H]
    kf = feat @ w_k
    vf = feat @ w_v
    k_nb = jnp.take(kf, idx, axis=0)   # [N, K, H] gather
    v_nb = jnp.take(vf, idx, axis=0)   # [N, K, H] gather
    rel = jnp.take(xyz, idx, axis=0) - xyz[:, None, :]  # [N, K, 3]
    pos = jax.nn.relu(rel @ w_pos1 + b_pos1) @ w_pos2 + b_pos2  # [N, K, H]
    a = q[:, None, :] - k_nb + pos
    a = jax.nn.relu(a @ w_attn1 + b_attn1) @ w_attn2 + b_attn2
    a = jax.nn.softmax(a, axis=1)
    out = jnp.sum(a * (v_nb + pos), axis=1)  # [N, H]
    sem = out @ w_cls + b_cls                # [N, 17]
    return sem

if __name__ == "__main__":
    import jax
    _d = setup_inputs()
    print(jax.jit(kernel)(*tuple(_d.values())))

</pallas_src>

<mosaic_0001>
#map = affine_map<(d0, d1) -> (0, 0)>
#map1 = affine_map<(d0, d1) -> (0)>
module attributes {stable_mosaic.version = 14 : i64} {
  func.func @gk(%arg0: i32, %arg1: i32, %arg2: memref<8192x256xf32, #tpu.memory_space<hbm>>, %arg3: memref<73728xi32, #tpu.memory_space<hbm>>, %arg4: memref<73728x256xf32, #tpu.memory_space<hbm>>, %arg5: memref<128xi32, #tpu.memory_space<vmem>>, %arg6: memref<128x256xf32, #tpu.memory_space<vmem>>, %arg7: memref<!tpu.dma_semaphore, #tpu.memory_space<semaphore_mem>>) attributes {dimension_semantics = [#tpu.dimension_semantics<core_parallel>, #tpu.dimension_semantics<subcore_parallel>], iteration_bounds = array<i64: 2, 16>, scalar_prefetch = 0 : i64, scratch_operands = 3 : i64, tpu.core_type = #tpu.core_type<sc_vector_subcore>, window_params = [{transform_indices = #map}, {transform_indices = #map1}, {transform_indices = #map}]} {
    %mul3A = arith.constant 2 : i32
    %mul3A_0 = arith.muli %arg1, %mul3A : i32
    %add3A = arith.addi %mul3A_0, %arg0 : i32
    %mul3A_1 = arith.constant 2304 : i32
    %mul3A_2 = arith.muli %add3A, %mul3A_1 : i32
    %scan3A = arith.constant 0 : i32
    %scan3A_3 = arith.constant 0 : i32
    %scan3A_4 = arith.constant 18 : i32
    %scan3A_5 = arith.addi %scan3A_3, %scan3A_4 : i32
    %scan3A_6 = arith.constant 1 : i32
    scf.for %scan3A_8 = %scan3A_3 to %scan3A_5 step %scan3A_6  : i32 {
      %mul3A_9 = arith.constant 128 : i32
      %mul3A_10 = arith.muli %scan3A_8, %mul3A_9 : i32
      %add3A_11 = arith.addi %mul3A_2, %mul3A_10 : i32
      "tpu.region"() ({
        %run_scoped3A = tpu.sem_alloc : memref<!tpu.dma_semaphore, #tpu.memory_space<semaphore_mem>>
        %dma_start3A_16 = tpu.memref_slice %arg3[%add3A_11] : memref<73728xi32, #tpu.memory_space<hbm>> -> memref<128xi32, #tpu.memory_space<hbm>>
        %dma_start3A_17 = tpu.memref_slice %arg3[%add3A_11] : memref<73728xi32, #tpu.memory_space<hbm>> -> memref<128xi32, #tpu.memory_space<hbm>>
        tpu.enqueue_dma source(%dma_start3A_17 : memref<128xi32, #tpu.memory_space<hbm>>) target(%arg5 : memref<128xi32, #tpu.memory_space<vmem>>) target_semaphore(%run_scoped3A : memref<!tpu.dma_semaphore, #tpu.memory_space<semaphore_mem>>)
        %dma_wait3A_18 = tpu.memref_slice %arg3[%add3A_11] : memref<73728xi32, #tpu.memory_space<hbm>> -> memref<128xi32, #tpu.memory_space<hbm>>
        %dma_wait3A_19 = tpu.memref_slice %arg3[%add3A_11] : memref<73728xi32, #tpu.memory_space<hbm>> -> memref<128xi32, #tpu.memory_space<hbm>>
        tpu.wait_dma2 semaphore(%run_scoped3A : memref<!tpu.dma_semaphore, #tpu.memory_space<semaphore_mem>>) src(%dma_wait3A_19 : memref<128xi32, #tpu.memory_space<hbm>>) dst(%arg5 : memref<128xi32, #tpu.memory_space<vmem>>)
        tpu.yield
      }) : () -> ()
      %dma_start3A = arith.constant 0 : i32
      %dma_start3A_12 = arith.constant 0 : i32
      %dma_start3A_13 = tpu.memref_slice %arg2[%dma_start3A, %dma_start3A_12] : memref<8192x256xf32, #tpu.memory_space<hbm>> -> memref<8192x256xf32, #tpu.memory_space<hbm>>
      tpu.enqueue_indirect_dma source(%dma_start3A_13 : memref<8192x256xf32, #tpu.memory_space<hbm>>) target(%arg6 : memref<128x256xf32, #tpu.memory_space<vmem>>) offsets(%arg5 : memref<128xi32, #tpu.memory_space<vmem>>) semaphore(%arg7 : memref<!tpu.dma_semaphore, #tpu.memory_space<semaphore_mem>>)
      %dma_wait3A = arith.constant 0 : i32
      %dma_wait3A_14 = arith.constant 0 : i32
      %dma_wait3A_15 = tpu.memref_slice %arg2[%dma_wait3A, %dma_wait3A_14] : memref<8192x256xf32, #tpu.memory_space<hbm>> -> memref<8192x256xf32, #tpu.memory_space<hbm>>
      tpu.wait_indirect_dma semaphore(%arg7 : memref<!tpu.dma_semaphore, #tpu.memory_space<semaphore_mem>>) src(%dma_wait3A_15 : memref<8192x256xf32, #tpu.memory_space<hbm>>) dst(%arg6 : memref<128x256xf32, #tpu.memory_space<vmem>>)
      "tpu.region"() ({
        %run_scoped3A = tpu.sem_alloc : memref<!tpu.dma_semaphore, #tpu.memory_space<semaphore_mem>>
        %dma_start3A_16 = arith.constant 0 : i32
        %dma_start3A_17 = tpu.memref_slice %arg4[%add3A_11, %dma_start3A_16] : memref<73728x256xf32, #tpu.memory_space<hbm>> -> memref<128x256xf32, #tpu.memory_space<hbm>>
        %dma_start3A_18 = arith.constant 0 : i32
        %dma_start3A_19 = tpu.memref_slice %arg4[%add3A_11, %dma_start3A_18] : memref<73728x256xf32, #tpu.memory_space<hbm>> -> memref<128x256xf32, #tpu.memory_space<hbm>>
        tpu.enqueue_dma source(%arg6 : memref<128x256xf32, #tpu.memory_space<vmem>>) target(%dma_start3A_19 : memref<128x256xf32, #tpu.memory_space<hbm>>) target_semaphore(%run_scoped3A : memref<!tpu.dma_semaphore, #tpu.memory_space<semaphore_mem>>)
        %dma_wait3A_20 = arith.constant 0 : i32
        %dma_wait3A_21 = tpu.memref_slice %arg4[%add3A_11, %dma_wait3A_20] : memref<73728x256xf32, #tpu.memory_space<hbm>> -> memref<128x256xf32, #tpu.memory_space<hbm>>
        %dma_wait3A_22 = arith.constant 0 : i32
        %dma_wait3A_23 = tpu.memref_slice %arg4[%add3A_11, %dma_wait3A_22] : memref<73728x256xf32, #tpu.memory_space<hbm>> -> memref<128x256xf32, #tpu.memory_space<hbm>>
        tpu.wait_dma2 semaphore(%run_scoped3A : memref<!tpu.dma_semaphore, #tpu.memory_space<semaphore_mem>>) src(%arg6 : memref<128x256xf32, #tpu.memory_space<vmem>>) dst(%dma_wait3A_23 : memref<128x256xf32, #tpu.memory_space<hbm>>)
        tpu.yield
      }) : () -> ()
    }
    %scan3A_7 = arith.constant 18 : i32
    return
  }
}

#map = affine_map<(d0, d1) -> (0, 0)>
#map1 = affine_map<(d0, d1) -> (0)>
module attributes {stable_mosaic.version = 14 : i64} {
  func.func @gk(%arg0: i32, %arg1: i32, %arg2: memref<8192x256xf32, #tpu.memory_space<hbm>>, %arg3: memref<73728xi32, #tpu.memory_space<hbm>>, %arg4: memref<73728x256xf32, #tpu.memory_space<hbm>>, %arg5: memref<128xi32, #tpu.memory_space<vmem>>, %arg6: memref<128x256xf32, #tpu.memory_space<vmem>>, %arg7: memref<!tpu.dma_semaphore, #tpu.memory_space<semaphore_mem>>) attributes {dimension_semantics = [#tpu.dimension_semantics<core_parallel>, #tpu.dimension_semantics<subcore_parallel>], iteration_bounds = array<i64: 2, 16>, scalar_prefetch = 0 : i64, scratch_operands = 3 : i64, tpu.core_type = #tpu.core_type<sc_vector_subcore>, window_params = [{transform_indices = #map}, {transform_indices = #map1}, {transform_indices = #map}]} {
    %mul3A = arith.constant 2 : i32
    %mul3A_0 = arith.muli %arg1, %mul3A : i32
    %add3A = arith.addi %mul3A_0, %arg0 : i32
    %mul3A_1 = arith.constant 2304 : i32
    %mul3A_2 = arith.muli %add3A, %mul3A_1 : i32
    %scan3A = arith.constant 0 : i32
    %scan3A_3 = arith.constant 0 : i32
    %scan3A_4 = arith.constant 18 : i32
    %scan3A_5 = arith.addi %scan3A_3, %scan3A_4 : i32
    %scan3A_6 = arith.constant 1 : i32
    scf.for %scan3A_8 = %scan3A_3 to %scan3A_5 step %scan3A_6  : i32 {
      %mul3A_9 = arith.constant 128 : i32
      %mul3A_10 = arith.muli %scan3A_8, %mul3A_9 : i32
      %add3A_11 = arith.addi %mul3A_2, %mul3A_10 : i32
      "tpu.region"() ({
        %run_scoped3A = tpu.sem_alloc : memref<!tpu.dma_semaphore, #tpu.memory_space<semaphore_mem>>
        %dma_start3A_16 = tpu.memref_slice %arg3[%add3A_11] : memref<73728xi32, #tpu.memory_space<hbm>> -> memref<128xi32, #tpu.memory_space<hbm>>
        %dma_start3A_17 = tpu.memref_slice %arg3[%add3A_11] : memref<73728xi32, #tpu.memory_space<hbm>> -> memref<128xi32, #tpu.memory_space<hbm>>
        tpu.enqueue_dma source(%dma_start3A_17 : memref<128xi32, #tpu.memory_space<hbm>>) target(%arg5 : memref<128xi32, #tpu.memory_space<vmem>>) target_semaphore(%run_scoped3A : memref<!tpu.dma_semaphore, #tpu.memory_space<semaphore_mem>>)
        %dma_wait3A_18 = tpu.memref_slice %arg3[%add3A_11] : memref<73728xi32, #tpu.memory_space<hbm>> -> memref<128xi32, #tpu.memory_space<hbm>>
        %dma_wait3A_19 = tpu.memref_slice %arg3[%add3A_11] : memref<73728xi32, #tpu.memory_space<hbm>> -> memref<128xi32, #tpu.memory_space<hbm>>
        tpu.wait_dma2 semaphore(%run_scoped3A : memref<!tpu.dma_semaphore, #tpu.memory_space<semaphore_mem>>) src(%dma_wait3A_19 : memref<128xi32, #tpu.memory_space<hbm>>) dst(%arg5 : memref<128xi32, #tpu.memory_space<vmem>>)
        tpu.yield
      }) : () -> ()
      %dma_start3A = arith.constant 0 : i32
      %dma_start3A_12 = arith.constant 0 : i32
      %dma_start3A_13 = tpu.memref_slice %arg2[%dma_start3A, %dma_start3A_12] : memref<8192x256xf32, #tpu.memory_space<hbm>> -> memref<8192x256xf32, #tpu.memory_space<hbm>>
      tpu.enqueue_indirect_dma source(%dma_start3A_13 : memref<8192x256xf32, #tpu.memory_space<hbm>>) target(%arg6 : memref<128x256xf32, #tpu.memory_space<vmem>>) offsets(%arg5 : memref<128xi32, #tpu.memory_space<vmem>>) semaphore(%arg7 : memref<!tpu.dma_semaphore, #tpu.memory_space<semaphore_mem>>)
      %dma_wait3A = arith.constant 0 : i32
      %dma_wait3A_14 = arith.constant 0 : i32
      %dma_wait3A_15 = tpu.memref_slice %arg2[%dma_wait3A, %dma_wait3A_14] : memref<8192x256xf32, #tpu.memory_space<hbm>> -> memref<8192x256xf32, #tpu.memory_space<hbm>>
      tpu.wait_indirect_dma semaphore(%arg7 : memref<!tpu.dma_semaphore, #tpu.memory_space<semaphore_mem>>) src(%dma_wait3A_15 : memref<8192x256xf32, #tpu.memory_space<hbm>>) dst(%arg6 : memref<128x256xf32, #tpu.memory_space<vmem>>)
      "tpu.region"() ({
        %run_scoped3A = tpu.sem_alloc : memref<!tpu.dma_semaphore, #tpu.memory_space<semaphore_mem>>
        %dma_start3A_16 = arith.constant 0 : i32
        %dma_start3A_17 = tpu.memref_slice %arg4[%add3A_11, %dma_start3A_16] : memref<73728x256xf32, #tpu.memory_space<hbm>> -> memref<128x256xf32, #tpu.memory_space<hbm>>
        %dma_start3A_18 = arith.constant 0 : i32
        %dma_start3A_19 = tpu.memref_slice %arg4[%add3A_11, %dma_start3A_18] : memref<73728x256xf32, #tpu.memory_space<hbm>> -> memref<128x256xf32, #tpu.memory_space<hbm>>
        tpu.enqueue_dma source(%arg6 : memref<128x256xf32, #tpu.memory_space<vmem>>) target(%dma_start3A_19 : memref<128x256xf32, #tpu.memory_space<hbm>>) target_semaphore(%run_scoped3A : memref<!tpu.dma_semaphore, #tpu.memory_space<semaphore_mem>>)
        %dma_wait3A_20 = arith.constant 0 : i32
        %dma_wait3A_21 = tpu.memref_slice %arg4[%add3A_11, %dma_wait3A_20] : memref<73728x256xf32, #tpu.memory_space<hbm>> -> memref<128x256xf32, #tpu.memory_space<hbm>>
        %dma_wait3A_22 = arith.constant 0 : i32
        %dma_wait3A_23 = tpu.memref_slice %arg4[%add3A_11, %dma_wait3A_22] : memref<73728x256xf32, #tpu.memory_space<hbm>> -> memref<128x256xf32, #tpu.memory_space<hbm>>
        tpu.wait_dma2 semaphore(%run_scoped3A : memref<!tpu.dma_semaphore, #tpu.memory_space<semaphore_mem>>) src(%arg6 : memref<128x256xf32, #tpu.memory_space<vmem>>) dst(%dma_wait3A_23 : memref<128x256xf32, #tpu.memory_space<hbm>>)
        tpu.yield
      }) : () -> ()
    }
    %scan3A_7 = arith.constant 18 : i32
    return
  }
}

#map = affine_map<(d0, d1) -> (0, 0)>
#map1 = affine_map<(d0, d1) -> (0)>
module attributes {stable_mosaic.version = 14 : i64} {
  func.func @gk(%arg0: i32, %arg1: i32, %arg2: memref<8192x256xf32, #tpu.memory_space<hbm>>, %arg3: memref<73728xi32, #tpu.memory_space<hbm>>, %arg4: memref<73728x256xf32, #tpu.memory_space<hbm>>, %arg5: memref<128xi32, #tpu.memory_space<vmem>>, %arg6: memref<128x256xf32, #tpu.memory_space<vmem>>, %arg7: memref<!tpu.dma_semaphore, #tpu.memory_space<semaphore_mem>>) attributes {dimension_semantics = [#tpu.dimension_semantics<core_parallel>, #tpu.dimension_semantics<subcore_parallel>], iteration_bounds = array<i64: 2, 16>, scalar_prefetch = 0 : i64, scratch_operands = 3 : i64, tpu.core_type = #tpu.core_type<sc_vector_subcore>, window_params = [{transform_indices = #map}, {transform_indices = #map1}, {transform_indices = #map}]} {
    %mul3A = arith.constant 2 : i32
    %mul3A_0 = arith.muli %arg1, %mul3A : i32
    %add3A = arith.addi %mul3A_0, %arg0 : i32
    %mul3A_1 = arith.constant 2304 : i32
    %mul3A_2 = arith.muli %add3A, %mul3A_1 : i32
    %scan3A = arith.constant 0 : i32
    %scan3A_3 = arith.constant 0 : i32
    %scan3A_4 = arith.constant 18 : i32
    %scan3A_5 = arith.addi %scan3A_3, %scan3A_4 : i32
    %scan3A_6 = arith.constant 1 : i32
    scf.for %scan3A_8 = %scan3A_3 to %scan3A_5 step %scan3A_6  : i32 {
      %mul3A_9 = arith.constant 128 : i32
      %mul3A_10 = arith.muli %scan3A_8, %mul3A_9 : i32
      %add3A_11 = arith.addi %mul3A_2, %mul3A_10 : i32
      "tpu.region"() ({
        %run_scoped3A = tpu.sem_alloc : memref<!tpu.dma_semaphore, #tpu.memory_space<semaphore_mem>>
        %dma_start3A_16 = tpu.memref_slice %arg3[%add3A_11] : memref<73728xi32, #tpu.memory_space<hbm>> -> memref<128xi32, #tpu.memory_space<hbm>>
        %dma_start3A_17 = tpu.memref_slice %arg3[%add3A_11] : memref<73728xi32, #tpu.memory_space<hbm>> -> memref<128xi32, #tpu.memory_space<hbm>>
        tpu.enqueue_dma source(%dma_start3A_17 : memref<128xi32, #tpu.memory_space<hbm>>) target(%arg5 : memref<128xi32, #tpu.memory_space<vmem>>) target_semaphore(%run_scoped3A : memref<!tpu.dma_semaphore, #tpu.memory_space<semaphore_mem>>)
        %dma_wait3A_18 = tpu.memref_slice %arg3[%add3A_11] : memref<73728xi32, #tpu.memory_space<hbm>> -> memref<128xi32, #tpu.memory_space<hbm>>
        %dma_wait3A_19 = tpu.memref_slice %arg3[%add3A_11] : memref<73728xi32, #tpu.memory_space<hbm>> -> memref<128xi32, #tpu.memory_space<hbm>>
        tpu.wait_dma2 semaphore(%run_scoped3A : memref<!tpu.dma_semaphore, #tpu.memory_space<semaphore_mem>>) src(%dma_wait3A_19 : memref<128xi32, #tpu.memory_space<hbm>>) dst(%arg5 : memref<128xi32, #tpu.memory_space<vmem>>)
        tpu.yield
      }) : () -> ()
      %dma_start3A = arith.constant 0 : i32
      %dma_start3A_12 = arith.constant 0 : i32
      %dma_start3A_13 = tpu.memref_slice %arg2[%dma_start3A, %dma_start3A_12] : memref<8192x256xf32, #tpu.memory_space<hbm>> -> memref<8192x256xf32, #tpu.memory_space<hbm>>
      tpu.enqueue_indirect_dma source(%dma_start3A_13 : memref<8192x256xf32, #tpu.memory_space<hbm>>) target(%arg6 : memref<128x256xf32, #tpu.memory_space<vmem>>) offsets(%arg5 : memref<128xi32, #tpu.memory_space<vmem>>) semaphore(%arg7 : memref<!tpu.dma_semaphore, #tpu.memory_space<semaphore_mem>>)
      %dma_wait3A = arith.constant 0 : i32
      %dma_wait3A_14 = arith.constant 0 : i32
      %dma_wait3A_15 = tpu.memref_slice %arg2[%dma_wait3A, %dma_wait3A_14] : memref<8192x256xf32, #tpu.memory_space<hbm>> -> memref<8192x256xf32, #tpu.memory_space<hbm>>
      tpu.wait_indirect_dma semaphore(%arg7 : memref<!tpu.dma_semaphore, #tpu.memory_space<semaphore_mem>>) src(%dma_wait3A_15 : memref<8192x256xf32, #tpu.memory_space<hbm>>) dst(%arg6 : memref<128x256xf32, #tpu.memory_space<vmem>>)
      "tpu.region"() ({
        %run_scoped3A = tpu.sem_alloc : memref<!tpu.dma_semaphore, #tpu.memory_space<semaphore_mem>>
        %dma_start3A_16 = arith.constant 0 : i32
        %dma_start3A_17 = tpu.memref_slice %arg4[%add3A_11, %dma_start3A_16] : memref<73728x256xf32, #tpu.memory_space<hbm>> -> memref<128x256xf32, #tpu.memory_space<hbm>>
        %dma_start3A_18 = arith.constant 0 : i32
        %dma_start3A_19 = tpu.memref_slice %arg4[%add3A_11, %dma_start3A_18] : memref<73728x256xf32, #tpu.memory_space<hbm>> -> memref<128x256xf32, #tpu.memory_space<hbm>>
        tpu.enqueue_dma source(%arg6 : memref<128x256xf32, #tpu.memory_space<vmem>>) target(%dma_start3A_19 : memref<128x256xf32, #tpu.memory_space<hbm>>) target_semaphore(%run_scoped3A : memref<!tpu.dma_semaphore, #tpu.memory_space<semaphore_mem>>)
        %dma_wait3A_20 = arith.constant 0 : i32
        %dma_wait3A_21 = tpu.memref_slice %arg4[%add3A_11, %dma_wait3A_20] : memref<73728x256xf32, #tpu.memory_space<hbm>> -> memref<128x256xf32, #tpu.memory_space<hbm>>
        %dma_wait3A_22 = arith.constant 0 : i32
        %dma_wait3A_23 = tpu.memref_slice %arg4[%add3A_11, %dma_wait3A_22] : memref<73728x256xf32, #tpu.memory_space<hbm>> -> memref<128x256xf32, #tpu.memory_space<hbm>>
        tpu.wait_dma2 semaphore(%run_scoped3A : memref<!tpu.dma_semaphore, #tpu.memory_space<semaphore_mem>>) src(%arg6 : memref<128x256xf32, #tpu.memory_space<vmem>>) dst(%dma_wait3A_23 : memref<128x256xf32, #tpu.memory_space<hbm>>)
        tpu.yield
      }) : () -> ()
    }
    %scan3A_7 = arith.constant 18 : i32
    return
  }
}

#map = affine_map<(d0, d1) -> (0, 0)>
#map1 = affine_map<(d0, d1) -> (0)>
module attributes {stable_mosaic.version = 14 : i64} {
  func.func @gk(%arg0: i32, %arg1: i32, %arg2: memref<8192x256xf32, #tpu.memory_space<hbm>>, %arg3: memref<73728xi32, #tpu.memory_space<hbm>>, %arg4: memref<73728x256xf32, #tpu.memory_space<hbm>>, %arg5: memref<128xi32, #tpu.memory_space<vmem>>, %arg6: memref<128x256xf32, #tpu.memory_space<vmem>>, %arg7: memref<!tpu.dma_semaphore, #tpu.memory_space<semaphore_mem>>) attributes {dimension_semantics = [#tpu.dimension_semantics<core_parallel>, #tpu.dimension_semantics<subcore_parallel>], iteration_bounds = array<i64: 2, 16>, scalar_prefetch = 0 : i64, scratch_operands = 3 : i64, tpu.core_type = #tpu.core_type<sc_vector_subcore>, window_params = [{transform_indices = #map}, {transform_indices = #map1}, {transform_indices = #map}]} {
    %mul3A = arith.constant 2 : i32
    %mul3A_0 = arith.muli %arg1, %mul3A : i32
    %add3A = arith.addi %mul3A_0, %arg0 : i32
    %mul3A_1 = arith.constant 2304 : i32
    %mul3A_2 = arith.muli %add3A, %mul3A_1 : i32
    %scan3A = arith.constant 0 : i32
    %scan3A_3 = arith.constant 0 : i32
    %scan3A_4 = arith.constant 18 : i32
    %scan3A_5 = arith.addi %scan3A_3, %scan3A_4 : i32
    %scan3A_6 = arith.constant 1 : i32
    scf.for %scan3A_8 = %scan3A_3 to %scan3A_5 step %scan3A_6  : i32 {
      %mul3A_9 = arith.constant 128 : i32
      %mul3A_10 = arith.muli %scan3A_8, %mul3A_9 : i32
      %add3A_11 = arith.addi %mul3A_2, %mul3A_10 : i32
      "tpu.region"() ({
        %run_scoped3A = tpu.sem_alloc : memref<!tpu.dma_semaphore, #tpu.memory_space<semaphore_mem>>
        %dma_start3A_16 = tpu.memref_slice %arg3[%add3A_11] : memref<73728xi32, #tpu.memory_space<hbm>> -> memref<128xi32, #tpu.memory_space<hbm>>
        %dma_start3A_17 = tpu.memref_slice %arg3[%add3A_11] : memref<73728xi32, #tpu.memory_space<hbm>> -> memref<128xi32, #tpu.memory_space<hbm>>
        tpu.enqueue_dma source(%dma_start3A_17 : memref<128xi32, #tpu.memory_space<hbm>>) target(%arg5 : memref<128xi32, #tpu.memory_space<vmem>>) target_semaphore(%run_scoped3A : memref<!tpu.dma_semaphore, #tpu.memory_space<semaphore_mem>>)
        %dma_wait3A_18 = tpu.memref_slice %arg3[%add3A_11] : memref<73728xi32, #tpu.memory_space<hbm>> -> memref<128xi32, #tpu.memory_space<hbm>>
        %dma_wait3A_19 = tpu.memref_slice %arg3[%add3A_11] : memref<73728xi32, #tpu.memory_space<hbm>> -> memref<128xi32, #tpu.memory_space<hbm>>
        tpu.wait_dma2 semaphore(%run_scoped3A : memref<!tpu.dma_semaphore, #tpu.memory_space<semaphore_mem>>) src(%dma_wait3A_19 : memref<128xi32, #tpu.memory_space<hbm>>) dst(%arg5 : memref<128xi32, #tpu.memory_space<vmem>>)
        tpu.yield
      }) : () -> ()
      %dma_start3A = arith.constant 0 : i32
      %dma_start3A_12 = arith.constant 0 : i32
      %dma_start3A_13 = tpu.memref_slice %arg2[%dma_start3A, %dma_start3A_12] : memref<8192x256xf32, #tpu.memory_space<hbm>> -> memref<8192x256xf32, #tpu.memory_space<hbm>>
      tpu.enqueue_indirect_dma source(%dma_start3A_13 : memref<8192x256xf32, #tpu.memory_space<hbm>>) target(%arg6 : memref<128x256xf32, #tpu.memory_space<vmem>>) offsets(%arg5 : memref<128xi32, #tpu.memory_space<vmem>>) semaphore(%arg7 : memref<!tpu.dma_semaphore, #tpu.memory_space<semaphore_mem>>)
      %dma_wait3A = arith.constant 0 : i32
      %dma_wait3A_14 = arith.constant 0 : i32
      %dma_wait3A_15 = tpu.memref_slice %arg2[%dma_wait3A, %dma_wait3A_14] : memref<8192x256xf32, #tpu.memory_space<hbm>> -> memref<8192x256xf32, #tpu.memory_space<hbm>>
      tpu.wait_indirect_dma semaphore(%arg7 : memref<!tpu.dma_semaphore, #tpu.memory_space<semaphore_mem>>) src(%dma_wait3A_15 : memref<8192x256xf32, #tpu.memory_space<hbm>>) dst(%arg6 : memref<128x256xf32, #tpu.memory_space<vmem>>)
      "tpu.region"() ({
        %run_scoped3A = tpu.sem_alloc : memref<!tpu.dma_semaphore, #tpu.memory_space<semaphore_mem>>
        %dma_start3A_16 = arith.constant 0 : i32
        %dma_start3A_17 = tpu.memref_slice %arg4[%add3A_11, %dma_start3A_16] : memref<73728x256xf32, #tpu.memory_space<hbm>> -> memref<128x256xf32, #tpu.memory_space<hbm>>
        %dma_start3A_18 = arith.constant 0 : i32
        %dma_start3A_19 = tpu.memref_slice %arg4[%add3A_11, %dma_start3A_18] : memref<73728x256xf32, #tpu.memory_space<hbm>> -> memref<128x256xf32, #tpu.memory_space<hbm>>
        tpu.enqueue_dma source(%arg6 : memref<128x256xf32, #tpu.memory_space<vmem>>) target(%dma_start3A_19 : memref<128x256xf32, #tpu.memory_space<hbm>>) target_semaphore(%run_scoped3A : memref<!tpu.dma_semaphore, #tpu.memory_space<semaphore_mem>>)
        %dma_wait3A_20 = arith.constant 0 : i32
        %dma_wait3A_21 = tpu.memref_slice %arg4[%add3A_11, %dma_wait3A_20] : memref<73728x256xf32, #tpu.memory_space<hbm>> -> memref<128x256xf32, #tpu.memory_space<hbm>>
        %dma_wait3A_22 = arith.constant 0 : i32
        %dma_wait3A_23 = tpu.memref_slice %arg4[%add3A_11, %dma_wait3A_22] : memref<73728x256xf32, #tpu.memory_space<hbm>> -> memref<128x256xf32, #tpu.memory_space<hbm>>
        tpu.wait_dma2 semaphore(%run_scoped3A : memref<!tpu.dma_semaphore, #tpu.memory_space<semaphore_mem>>) src(%arg6 : memref<128x256xf32, #tpu.memory_space<vmem>>) dst(%dma_wait3A_23 : memref<128x256xf32, #tpu.memory_space<hbm>>)
        tpu.yield
      }) : () -> ()
    }
    %scan3A_7 = arith.constant 18 : i32
    return
  }
}

module attributes {stable_mosaic.version = 14 : i64} {
  func.func @_topk_body(%arg0: i32, %arg1: memref<256x3xf32, #tpu.memory_space<vmem>>, %arg2: memref<3x8192xf32, #tpu.memory_space<vmem>>, %arg3: memref<256x36xi32, #tpu.memory_space<vmem>>) attributes {dimension_semantics = [#tpu.dimension_semantics<arbitrary>], iteration_bounds = array<i64: 8>, scalar_prefetch = 0 : i64, scratch_operands = 0 : i64, tpu.core_type = #tpu.core_type<tc>, window_params = [{transform_indices = @transform_0, window_bounds = array<i64: 256, 3>}, {pipeline_mode = #tpu.pipeline_mode<synchronous>, transform_indices = @transform_1, window_bounds = array<i64: 3, 8192>}, {transform_indices = @transform_2, window_bounds = array<i64: 256, 36>}]} {
    %get3A = arith.constant 0 : index
    %get3A_0 = arith.constant 0 : index
    %get3A_1 = vector.load %arg1[%get3A, %get3A_0] : memref<256x3xf32, #tpu.memory_space<vmem>>, vector<256x3xf32>
    %get3A_2 = arith.constant 0 : index
    %get3A_3 = arith.constant 0 : index
    %get3A_4 = vector.load %arg2[%get3A_2, %get3A_3] : memref<3x8192xf32, #tpu.memory_space<vmem>>, vector<3x8192xf32>
    %mul3A = arith.mulf %get3A_4, %get3A_4 : vector<3x8192xf32>
    %reduce_sum3A = arith.constant dense<0.000000e+00> : vector<8192xf32>
    %reduce_sum3A_5 = vector.multi_reduction <add>, %mul3A, %reduce_sum3A [0] : vector<3x8192xf32> to vector<8192xf32>
    %broadcast_in_dim3A = vector.shape_cast %reduce_sum3A_5 : vector<8192xf32> to vector<1x8192xf32>
    %dot_general3A = arith.constant dense<0.000000e+00> : vector<256x8192xf32>
    %dot_general3A_6 = tpu.matmul %get3A_1, %get3A_4, %dot_general3A {dimension_numbers = #tpu.dot_dimension_numbers<[1], [0], [0], [1], [0, 0, 1, 1], [], []>, transpose_lhs_hint = false} : vector<256x3xf32>, vector<3x8192xf32>, vector<256x8192xf32> -> vector<256x8192xf32>
    %mul3A_7 = arith.constant 2.000000e+00 : f32
    %mul3A_8 = vector.broadcast %mul3A_7 : f32 to vector<256x8192xf32>
    %mul3A_9 = arith.mulf %mul3A_8, %dot_general3A_6 : vector<256x8192xf32>
    %sub3A = vector.broadcast %broadcast_in_dim3A : vector<1x8192xf32> to vector<256x8192xf32>
    %sub3A_10 = arith.subf %sub3A, %mul3A_9 : vector<256x8192xf32>
    %reshape3A = vector.shape_cast %sub3A_10 : vector<256x8192xf32> to vector<256x64x128xf32>
    %iota3A = tpu.iota {dimensions = array<i32: 1>} : vector<256x64x128xi32>
    %convert_element_type3A = arith.sitofp %iota3A : vector<256x64x128xi32> to vector<256x64x128xf32>
    %iota3A_11 = tpu.iota {dimensions = array<i32: 1>} : vector<256x36xi32>
    %iota3A_12 = tpu.iota {dimensions = array<i32: 1>} : vector<256x128xi32>
    %convert_element_type3A_13 = arith.sitofp %iota3A_12 : vector<256x128xi32> to vector<256x128xf32>
    %reduce_min3A = arith.constant dense<0x7F800000> : vector<256x128xf32>
    %reduce_min3A_14 = vector.multi_reduction <minimumf>, %reshape3A, %reduce_min3A [1] : vector<256x64x128xf32> to vector<256x128xf32>
    %broadcast_in_dim3A_15 = vector.shape_cast %reduce_min3A_14 : vector<256x128xf32> to vector<256x1x128xf32>
    %eq3A = vector.broadcast %broadcast_in_dim3A_15 : vector<256x1x128xf32> to vector<256x64x128xf32>
    %eq3A_16 = arith.cmpf oeq, %reshape3A, %eq3A : vector<256x64x128xf32>
    %jit3A = arith.constant 6.400000e+01 : f32
    %broadcast_in_dim3A_17 = vector.broadcast %jit3A : f32 to vector<256x64x128xf32>
    %select_n3A = arith.select %eq3A_16, %convert_element_type3A, %broadcast_in_dim3A_17 : vector<256x64x128xi1>, vector<256x64x128xf32>
    %reduce_min3A_18 = arith.constant dense<0x7F800000> : vector<256x128xf32>
    %reduce_min3A_19 = vector.multi_reduction <minimumf>, %select_n3A, %reduce_min3A_18 [1] : vector<256x64x128xf32> to vector<256x128xf32>
    %broadcast_in_dim3A_20 = vector.shape_cast %reduce_min3A_19 : vector<256x128xf32> to vector<256x1x128xf32>
    %eq3A_21 = vector.broadcast %broadcast_in_dim3A_20 : vector<256x1x128xf32> to vector<256x64x128xf32>
    %eq3A_22 = arith.cmpf oeq, %convert_element_type3A, %eq3A_21 : vector<256x64x128xf32>
    %and3A = arith.andi %eq3A_16, %eq3A_22 : vector<256x64x128xi1>
    %jit3A_23 = arith.constant 0x7F800000 : f32
    %broadcast_in_dim3A_24 = vector.broadcast %jit3A_23 : f32 to vector<256x64x128xf32>
    %select_n3A_25 = arith.select %and3A, %broadcast_in_dim3A_24, %reshape3A : vector<256x64x128xi1>, vector<256x64x128xf32>
    %mul3A_26 = arith.constant 1.280000e+02 : f32
    %mul3A_27 = vector.broadcast %mul3A_26 : f32 to vector<256x128xf32>
    %mul3A_28 = arith.mulf %reduce_min3A_19, %mul3A_27 : vector<256x128xf32>
    %add3A = arith.addf %mul3A_28, %convert_element_type3A_13 : vector<256x128xf32>
    %reduce_min3A_29 = arith.constant dense<0x7F800000> : vector<256x128xf32>
    %reduce_min3A_30 = vector.multi_reduction <minimumf>, %select_n3A_25, %reduce_min3A_29 [1] : vector<256x64x128xf32> to vector<256x128xf32>
    %broadcast_in_dim3A_31 = vector.shape_cast %reduce_min3A_30 : vector<256x128xf32> to vector<256x1x128xf32>
    %eq3A_32 = vector.broadcast %broadcast_in_dim3A_31 : vector<256x1x128xf32> to vector<256x64x128xf32>
    %eq3A_33 = arith.cmpf oeq, %select_n3A_25, %eq3A_32 : vector<256x64x128xf32>
    %jit3A_34 = arith.constant 6.400000e+01 : f32
    %broadcast_in_dim3A_35 = vector.broadcast %jit3A_34 : f32 to vector<256x64x128xf32>
    %select_n3A_36 = arith.select %eq3A_33, %convert_element_type3A, %broadcast_in_dim3A_35 : vector<256x64x128xi1>, vector<256x64x128xf32>
    %reduce_min3A_37 = arith.constant dense<0x7F800000> : vector<256x128xf32>
    %reduce_min3A_38 = vector.multi_reduction <minimumf>, %select_n3A_36, %reduce_min3A_37 [1] : vector<256x64x128xf32> to vector<256x128xf32>
    %broadcast_in_dim3A_39 = vector.shape_cast %reduce_min3A_38 : vector<256x128xf32> to vector<256x1x128xf32>
    %eq3A_40 = vector.broadcast %broadcast_in_dim3A_39 : vector<256x1x128xf32> to vector<256x64x128xf32>
    %eq3A_41 = arith.cmpf oeq, %convert_element_type3A, %eq3A_40 : vector<256x64x128xf32>
    %and3A_42 = arith.andi %eq3A_33, %eq3A_41 : vector<256x64x128xi1>
    %jit3A_43 = arith.constant 0x7F800000 : f32
    %broadcast_in_dim3A_44 = vector.broadcast %jit3A_43 : f32 to vector<256x64x128xf32>
    %select_n3A_45 = arith.select %and3A_42, %broadcast_in_dim3A_44, %select_n3A_25 : vector<256x64x128xi1>, vector<256x64x128xf32>
    %mul3A_46 = arith.constant 1.280000e+02 : f32
    %mul3A_47 = vector.broadcast %mul3A_46 : f32 to vector<256x128xf32>
    %mul3A_48 = arith.mulf %reduce_min3A_38, %mul3A_47 : vector<256x128xf32>
    %add3A_49 = arith.addf %mul3A_48, %convert_element_type3A_13 : vector<256x128xf32>
    %reduce_min3A_50 = arith.constant dense<0x7F800000> : vector<256x128xf32>
    %reduce_min3A_51 = vector.multi_reduction <minimumf>, %select_n3A_45, %reduce_min3A_50 [1] : vector<256x64x128xf32> to vector<256x128xf32>
    %broadcast_in_dim3A_52 = vector.shape_cast %reduce_min3A_51 : vector<256x128xf32> to vector<256x1x128xf32>
    %eq3A_53 = vector.broadcast %broadcast_in_dim3A_52 : vector<256x1x128xf32> to vector<256x64x128xf32>
    %eq3A_54 = arith.cmpf oeq, %select_n3A_45, %eq3A_53 : vector<256x64x128xf32>
    %jit3A_55 = arith.constant 6.400000e+01 : f32
    %broadcast_in_dim3A_56 = vector.broadcast %jit3A_55 : f32 to vector<256x64x128xf32>
    %select_n3A_57 = arith.select %eq3A_54, %convert_element_type3A, %broadcast_in_dim3A_56 : vector<256x64x128xi1>, vector<256x64x128xf32>
    %reduce_min3A_58 = arith.constant dense<0x7F800000> : vector<256x128xf32>
    %reduce_min3A_59 = vector.multi_reduction <minimumf>, %select_n3A_57, %reduce_min3A_58 [1] : vector<256x64x128xf32> to vector<256x128xf32>
    %broadcast_in_dim3A_60 = vector.shape_cast %reduce_min3A_59 : vector<256x128xf32> to vector<256x1x128xf32>
    %eq3A_61 = vector.broadcast %broadcast_in_dim3A_60 : vector<256x1x128xf32> to vector<256x64x128xf32>
    %eq3A_62 = arith.cmpf oeq, %convert_element_type3A, %eq3A_61 : vector<256x64x128xf32>
    %and3A_63 = arith.andi %eq3A_54, %eq3A_62 : vector<256x64x128xi1>
    %jit3A_64 = arith.constant 0x7F800000 : f32
    %broadcast_in_dim3A_65 = vector.broadcast %jit3A_64 : f32 to vector<256x64x128xf32>
    %select_n3A_66 = arith.select %and3A_63, %broadcast_in_dim3A_65, %select_n3A_45 : vector<256x64x128xi1>, vector<256x64x128xf32>
    %mul3A_67 = arith.constant 1.280000e+02 : f32
    %mul3A_68 = vector.broadcast %mul3A_67 : f32 to vector<256x128xf32>
    %mul3A_69 = arith.mulf %reduce_min3A_59, %mul3A_68 : vector<256x128xf32>
    %add3A_70 = arith.addf %mul3A_69, %convert_element_type3A_13 : vector<256x128xf32>
    %reduce_min3A_71 = arith.constant dense<0x7F800000> : vector<256x128xf32>
    %reduce_min3A_72 = vector.multi_reduction <minimumf>, %select_n3A_66, %reduce_min3A_71 [1] : vector<256x64x128xf32> to vector<256x128xf32>
    %broadcast_in_dim3A_73 = vector.shape_cast %reduce_min3A_72 : vector<256x128xf32> to vector<256x1x128xf32>
    %eq3A_74 = vector.broadcast %broadcast_in_dim3A_73 : vector<256x1x128xf32> to vector<256x64x128xf32>
    %eq3A_75 = arith.cmpf oeq, %select_n3A_66, %eq3A_74 : vector<256x64x128xf32>
    %jit3A_76 = arith.constant 6.400000e+01 : f32
    %broadcast_in_dim3A_77 = vector.broadcast %jit3A_76 : f32 to vector<256x64x128xf32>
    %select_n3A_78 = arith.select %eq3A_75, %convert_element_type3A, %broadcast_in_dim3A_77 : vector<256x64x128xi1>, vector<256x64x128xf32>
    %reduce_min3A_79 = arith.constant dense<0x7F800000> : vector<256x128xf32>
    %reduce_min3A_80 = vector.multi_reduction <minimumf>, %select_n3A_78, %reduce_min3A_79 [1] : vector<256x64x128xf32> to vector<256x128xf32>
    %broadcast_in_dim3A_81 = vector.shape_cast %reduce_min3A_80 : vector<256x128xf32> to vector<256x1x128xf32>
    %eq3A_82 = vector.broadcast %broadcast_in_dim3A_81 : vector<256x1x128xf32> to vector<256x64x128xf32>
    %eq3A_83 = arith.cmpf oeq, %convert_element_type3A, %eq3A_82 : vector<256x64x128xf32>
    %and3A_84 = arith.andi %eq3A_75, %eq3A_83 : vector<256x64x128xi1>
    %jit3A_85 = arith.constant 0x7F800000 : f32
    %broadcast_in_dim3A_86 = vector.broadcast %jit3A_85 : f32 to vector<256x64x128xf32>
    %select_n3A_87 = arith.select %and3A_84, %broadcast_in_dim3A_86, %select_n3A_66 : vector<256x64x128xi1>, vector<256x64x128xf32>
    %mul3A_88 = arith.constant 1.280000e+02 : f32
    %mul3A_89 = vector.broadcast %mul3A_88 : f32 to vector<256x128xf32>
    %mul3A_90 = arith.mulf %reduce_min3A_80, %mul3A_89 : vector<256x128xf32>
    %add3A_91 = arith.addf %mul3A_90, %convert_element_type3A_13 : vector<256x128xf32>
    %reduce_min3A_92 = arith.constant dense<0x7F800000> : vector<256x128xf32>
    %reduce_min3A_93 = vector.multi_reduction <minimumf>, %select_n3A_87, %reduce_min3A_92 [1] : vector<256x64x128xf32> to vector<256x128xf32>
    %broadcast_in_dim3A_94 = vector.shape_cast %reduce_min3A_93 : vector<256x128xf32> to vector<256x1x128xf32>
    %eq3A_95 = vector.broadcast %broadcast_in_dim3A_94 : vector<256x1x128xf32> to vector<256x64x128xf32>
    %eq3A_96 = arith.cmpf oeq, %select_n3A_87, %eq3A_95 : vector<256x64x128xf32>
    %jit3A_97 = arith.constant 6.400000e+01 : f32
    %broadcast_in_dim3A_98 = vector.broadcast %jit3A_97 : f32 to vector<256x64x128xf32>
    %select_n3A_99 = arith.select %eq3A_96, %convert_element_type3A, %broadcast_in_dim3A_98 : vector<256x64x128xi1>, vector<256x64x128xf32>
    %reduce_min3A_100 = arith.constant dense<0x7F800000> : vector<256x128xf32>
    %reduce_min3A_101 = vector.multi_reduction <minimumf>, %select_n3A_99, %reduce_min3A_100 [1] : vector<256x64x128xf32> to vector<256x128xf32>
    %broadcast_in_dim3A_102 = vector.shape_cast %reduce_min3A_101 : vector<256x128xf32> to vector<256x1x128xf32>
    %eq3A_103 = vector.broadcast %broadcast_in_dim3A_102 : vector<256x1x128xf32> to vector<256x64x128xf32>
    %eq3A_104 = arith.cmpf oeq, %convert_element_type3A, %eq3A_103 : vector<256x64x128xf32>
    %and3A_105 = arith.andi %eq3A_96, %eq3A_104 : vector<256x64x128xi1>
    %jit3A_106 = arith.constant 0x7F800000 : f32
    %broadcast_in_dim3A_107 = vector.broadcast %jit3A_106 : f32 to vector<256x64x128xf32>
    %select_n3A_108 = arith.select %and3A_105, %broadcast_in_dim3A_107, %select_n3A_87 : vector<256x64x128xi1>, vector<256x64x128xf32>
    %mul3A_109 = arith.constant 1.280000e+02 : f32
    %mul3A_110 = vector.broadcast %mul3A_109 : f32 to vector<256x128xf32>
    %mul3A_111 = arith.mulf %reduce_min3A_101, %mul3A_110 : vector<256x128xf32>
    %add3A_112 = arith.addf %mul3A_111, %convert_element_type3A_13 : vector<256x128xf32>
    %reduce_min3A_113 = arith.constant dense<0x7F800000> : vector<256x128xf32>
    %reduce_min3A_114 = vector.multi_reduction <minimumf>, %select_n3A_108, %reduce_min3A_113 [1] : vector<256x64x128xf32> to vector<256x128xf32>
    %broadcast_in_dim3A_115 = vector.shape_cast %reduce_min3A_114 : vector<256x128xf32> to vector<256x1x128xf32>
    %eq3A_116 = vector.broadcast %broadcast_in_dim3A_115 : vector<256x1x128xf32> to vector<256x64x128xf32>
    %eq3A_117 = arith.cmpf oeq, %select_n3A_108, %eq3A_116 : vector<256x64x128xf32>
    %jit3A_118 = arith.constant 6.400000e+01 : f32
    %broadcast_in_dim3A_119 = vector.broadcast %jit3A_118 : f32 to vector<256x64x128xf32>
    %select_n3A_120 = arith.select %eq3A_117, %convert_element_type3A, %broadcast_in_dim3A_119 : vector<256x64x128xi1>, vector<256x64x128xf32>
    %reduce_min3A_121 = arith.constant dense<0x7F800000> : vector<256x128xf32>
    %reduce_min3A_122 = vector.multi_reduction <minimumf>, %select_n3A_120, %reduce_min3A_121 [1] : vector<256x64x128xf32> to vector<256x128xf32>
    %mul3A_123 = arith.constant 1.280000e+02 : f32
    %mul3A_124 = vector.broadcast %mul3A_123 : f32 to vector<256x128xf32>
    %mul3A_125 = arith.mulf %reduce_min3A_122, %mul3A_124 : vector<256x128xf32>
    %add3A_126 = arith.addf %mul3A_125, %convert_element_type3A_13 : vector<256x128xf32>
    %concatenate3A = tpu.concatenate %reduce_min3A_14, %reduce_min3A_30, %reduce_min3A_51, %reduce_min3A_72, %reduce_min3A_93, %reduce_min3A_114 in 1 : vector<256x128xf32>, vector<256x128xf32>, vector<256x128xf32>, vector<256x128xf32>, vector<256x128xf32>, vector<256x128xf32> -> vector<256x768xf32>
    %concatenate3A_127 = tpu.concatenate %add3A, %add3A_49, %add3A_70, %add3A_91, %add3A_112, %add3A_126 in 1 : vector<256x128xf32>, vector<256x128xf32>, vector<256x128xf32>, vector<256x128xf32>, vector<256x128xf32>, vector<256x128xf32> -> vector<256x768xf32>
    %broadcast_in_dim3A_128 = arith.constant 0.000000e+00 : f32
    %broadcast_in_dim3A_129 = vector.broadcast %broadcast_in_dim3A_128 : f32 to vector<256x36xf32>
    %scan3A = arith.constant 8.192000e+03 : f32
    %scan3A_130 = arith.constant 0 : i32
    %scan3A_131 = arith.constant 36 : i32
    %scan3A_132 = arith.addi %scan3A_130, %scan3A_131 : i32
    %scan3A_133 = arith.constant 1 : i32
    %scan3A_134:2 = scf.for %scan3A_155 = %scan3A_130 to %scan3A_132 step %scan3A_133 iter_args(%scan3A_156 = %concatenate3A, %scan3A_157 = %broadcast_in_dim3A_129) -> (vector<256x768xf32>, vector<256x36xf32>)  : i32 {
      %reduce_min3A_158 = arith.constant dense<0x7F800000> : vector<256xf32>
      %reduce_min3A_159 = vector.multi_reduction <minimumf>, %scan3A_156, %reduce_min3A_158 [1] : vector<256x768xf32> to vector<256xf32>
      %broadcast_in_dim3A_160 = vector.shape_cast %reduce_min3A_159 : vector<256xf32> to vector<256x1xf32>
      %le3A = vector.broadcast %broadcast_in_dim3A_160 : vector<256x1xf32> to vector<256x768xf32>
      %le3A_161 = arith.cmpf ole, %scan3A_156, %le3A : vector<256x768xf32>
      %broadcast_in_dim3A_162 = vector.broadcast %scan3A : f32 to vector<256x768xf32>
      %select_n3A_163 = arith.select %le3A_161, %concatenate3A_127, %broadcast_in_dim3A_162 : vector<256x768xi1>, vector<256x768xf32>
      %reduce_min3A_164 = arith.constant dense<0x7F800000> : vector<256xf32>
      %reduce_min3A_165 = vector.multi_reduction <minimumf>, %select_n3A_163, %reduce_min3A_164 [1] : vector<256x768xf32> to vector<256xf32>
      %broadcast_in_dim3A_166 = vector.shape_cast %reduce_min3A_165 : vector<256xf32> to vector<256x1xf32>
      %eq3A_167 = vector.broadcast %scan3A_155 : i32 to vector<256x36xi32>
      %eq3A_168 = arith.cmpi eq, %iota3A_11, %eq3A_167 : vector<256x36xi32>
      %broadcast_in_dim3A_169 = vector.shape_cast %broadcast_in_dim3A_166 : vector<256x1xf32> to vector<256x1xf32>
      %broadcast_in_dim3A_170 = vector.broadcast %broadcast_in_dim3A_169 : vector<256x1xf32> to vector<256x36xf32>
      %select_n3A_171 = arith.select %eq3A_168, %broadcast_in_dim3A_170, %scan3A_157 : vector<256x36xi1>, vector<256x36xf32>
      %eq3A_172 = vector.broadcast %broadcast_in_dim3A_166 : vector<256x1xf32> to vector<256x768xf32>
      %eq3A_173 = arith.cmpf oeq, %concatenate3A_127, %eq3A_172 : vector<256x768xf32>
      %jit3A_174 = arith.constant 0x7F800000 : f32
      %broadcast_in_dim3A_175 = vector.broadcast %jit3A_174 : f32 to vector<256x768xf32>
      %select_n3A_176 = arith.select %eq3A_173, %broadcast_in_dim3A_175, %scan3A_156 : vector<256x768xi1>, vector<256x768xf32>
      scf.yield %select_n3A_176, %select_n3A_171 : vector<256x768xf32>, vector<256x36xf32>
    }
    %scan3A_135 = arith.constant 36 : i32
    %convert_element_type3A_136 = arith.fptosi %scan3A_134#1 : vector<256x36xf32> to vector<256x36xi32>
    %swap3A = arith.constant 0 : index
    %swap3A_137 = arith.constant 0 : index
    %swap3A_138 = vector.load %arg3[%swap3A, %swap3A_137] : memref<256x36xi32, #tpu.memory_space<vmem>>, vector<256x36xi32>
    tpu.vector_store %arg3[%swap3A, %swap3A_137], %convert_element_type3A_136 {strides = array<i32>} : memref<256x36xi32, #tpu.memory_space<vmem>>, vector<256x36xi32>,
    %slice3A = vector.extract_strided_slice %scan3A_134#0 {offsets = [0, 640], sizes = [256, 128], strides = [1, 1]} : vector<256x768xf32> to vector<256x128xf32>
    %eq3A_139 = arith.constant 0x7F800000 : f32
    %eq3A_140 = vector.broadcast %eq3A_139 : f32 to vector<256x128xf32>
    %eq3A_141 = arith.cmpf oeq, %slice3A, %eq3A_140 : vector<256x128xf32>
    %reduce_or3A = arith.constant 1.000000e+00 : f32
    %reduce_or3A_142 = arith.constant 0.000000e+00 : f32
    %reduce_or3A_143 = vector.broadcast %reduce_or3A : f32 to vector<256x128xf32>
    %reduce_or3A_144 = vector.broadcast %reduce_or3A_142 : f32 to vector<256x128xf32>
    %reduce_or3A_145 = arith.select %eq3A_141, %reduce_or3A_143, %reduce_or3A_144 : vector<256x128xi1>, vector<256x128xf32>
    %reduce_or3A_146 = vector.shape_cast %reduce_or3A_145 : vector<256x128xf32> to vector<1x256x128xf32>
    %reduce_or3A_147 = arith.constant dense<0xFF800000> : vector<1xf32>
    %reduce_or3A_148 = vector.multi_reduction <maximumf>, %reduce_or3A_146, %reduce_or3A_147 [1, 2] : vector<1x256x128xf32> to vector<1xf32>
    %reduce_or3A_149 = vector.shape_cast %reduce_or3A_148 : vector<1xf32> to vector<1x1x1xf32>
    %reduce_or3A_150 = vector.extract %reduce_or3A_149[0, 0, 0] : f32 from vector<1x1x1xf32>
    %reduce_or3A_151 = arith.constant 0.000000e+00 : f32
    %reduce_or3A_152 = arith.cmpf ogt, %reduce_or3A_150, %reduce_or3A_151 : f32
    %convert_element_type3A_153 = arith.extui %reduce_or3A_152 : i1 to i32
    %cond3A = arith.constant 0 : i32
    %cond3A_154 = arith.cmpi ne, %convert_element_type3A_153, %cond3A : i32
    scf.if %cond3A_154 {
      %iota3A_155 = tpu.iota {dimensions = array<i32: 1>} : vector<256x8192xi32>
      %iota3A_156 = tpu.iota {dimensions = array<i32: 1>} : vector<256x36xi32>
      %broadcast_in_dim3A_157 = arith.constant 0 : i32
      %broadcast_in_dim3A_158 = vector.broadcast %broadcast_in_dim3A_157 : i32 to vector<256x36xi32>
      %scan3A_159 = arith.constant 0 : i32
      %scan3A_160 = arith.constant 36 : i32
      %scan3A_161 = arith.addi %scan3A_159, %scan3A_160 : i32
      %scan3A_162 = arith.constant 1 : i32
      %scan3A_163:2 = scf.for %scan3A_168 = %scan3A_159 to %scan3A_161 step %scan3A_162 iter_args(%scan3A_169 = %sub3A_10, %scan3A_170 = %broadcast_in_dim3A_158) -> (vector<256x8192xf32>, vector<256x36xi32>)  : i32 {
        %reduce_min3A_171 = arith.constant dense<0x7F800000> : vector<256xf32>
        %reduce_min3A_172 = vector.multi_reduction <minimumf>, %scan3A_169, %reduce_min3A_171 [1] : vector<256x8192xf32> to vector<256xf32>
        %broadcast_in_dim3A_173 = vector.shape_cast %reduce_min3A_172 : vector<256xf32> to vector<256x1xf32>
        %le3A = vector.broadcast %broadcast_in_dim3A_173 : vector<256x1xf32> to vector<256x8192xf32>
        %le3A_174 = arith.cmpf ole, %scan3A_169, %le3A : vector<256x8192xf32>
        %jit3A_175 = arith.constant 8192 : i32
        %broadcast_in_dim3A_176 = vector.broadcast %jit3A_175 : i32 to vector<256x8192xi32>
        %select_n3A_177 = arith.select %le3A_174, %iota3A_155, %broadcast_in_dim3A_176 : vector<256x8192xi1>, vector<256x8192xi32>
        %reduce_min3A_178 = arith.constant dense<2147483647> : vector<256xi32>
        %reduce_min3A_179 = vector.multi_reduction <minsi>, %select_n3A_177, %reduce_min3A_178 [1] : vector<256x8192xi32> to vector<256xi32>
        %broadcast_in_dim3A_180 = vector.shape_cast %reduce_min3A_179 : vector<256xi32> to vector<256x1xi32>
        %eq3A_181 = vector.broadcast %scan3A_168 : i32 to vector<256x36xi32>
        %eq3A_182 = arith.cmpi eq, %iota3A_156, %eq3A_181 : vector<256x36xi32>
        %broadcast_in_dim3A_183 = vector.shape_cast %broadcast_in_dim3A_180 : vector<256x1xi32> to vector<256x1xi32>
        %broadcast_in_dim3A_184 = vector.broadcast %broadcast_in_dim3A_183 : vector<256x1xi32> to vector<256x36xi32>
        %select_n3A_185 = arith.select %eq3A_182, %broadcast_in_dim3A_184, %scan3A_170 : vector<256x36xi1>, vector<256x36xi32>
        %eq3A_186 = vector.broadcast %broadcast_in_dim3A_180 : vector<256x1xi32> to vector<256x8192xi32>
        %eq3A_187 = arith.cmpi eq, %iota3A_155, %eq3A_186 : vector<256x8192xi32>
        %jit3A_188 = arith.constant 0x7F800000 : f32
        %broadcast_in_dim3A_189 = vector.broadcast %jit3A_188 : f32 to vector<256x8192xf32>
        %select_n3A_190 = arith.select %eq3A_187, %broadcast_in_dim3A_189, %scan3A_169 : vector<256x8192xi1>, vector<256x8192xf32>
        scf.yield %select_n3A_190, %select_n3A_185 : vector<256x8192xf32>, vector<256x36xi32>
      }
      %scan3A_164 = arith.constant 36 : i32
      %swap3A_165 = arith.constant 0 : index
      %swap3A_166 = arith.constant 0 : index
      %swap3A_167 = vector.load %arg3[%swap3A_165, %swap3A_166] : memref<256x36xi32, #tpu.memory_space<vmem>>, vector<256x36xi32>
      tpu.vector_store %arg3[%swap3A_165, %swap3A_166], %scan3A_163#1 {strides = array<i32>} : memref<256x36xi32, #tpu.memory_space<vmem>>, vector<256x36xi32>,
    } else {
    }
    return
  }
  func.func @transform_0(%arg0: i32) -> (i32, i32) {
    %c0_i32 = arith.constant 0 : i32
    %c0_i32_0 = arith.constant 0 : i32
    return %arg0, %c0_i32 : i32, i32
  }
  func.func @transform_1(%arg0: i32) -> (i32, i32) {
    %c0_i32 = arith.constant 0 : i32
    %c0_i32_0 = arith.constant 0 : i32
    %c0_i32_1 = arith.constant 0 : i32
    return %c0_i32, %c0_i32_0 : i32, i32
  }
  func.func @transform_2(%arg0: i32) -> (i32, i32) {
    %c0_i32 = arith.constant 0 : i32
    %c0_i32_0 = arith.constant 0 : i32
    return %arg0, %c0_i32 : i32, i32
  }
}

module attributes {stable_mosaic.version = 14 : i64} {
  func.func @_proj_body(%arg0: i32, %arg1: memref<512x6xf32, #tpu.memory_space<vmem>>, %arg2: memref<6x64xf32, #tpu.memory_space<vmem>>, %arg3: memref<6x64xf32, #tpu.memory_space<vmem>>, %arg4: memref<6x64xf32, #tpu.memory_space<vmem>>, %arg5: memref<3x64xf32, #tpu.memory_space<vmem>>, %arg6: memref<512x64xf32, #tpu.memory_space<vmem>>, %arg7: memref<512x64xf32, #tpu.memory_space<vmem>>, %arg8: memref<512x256xf32, #tpu.memory_space<vmem>>) attributes {dimension_semantics = [#tpu.dimension_semantics<arbitrary>], iteration_bounds = array<i64: 16>, scalar_prefetch = 0 : i64, scratch_operands = 0 : i64, tpu.core_type = #tpu.core_type<tc>, window_params = [{transform_indices = @transform_0, window_bounds = array<i64: 512, 6>}, {pipeline_mode = #tpu.pipeline_mode<synchronous>, transform_indices = @transform_1, window_bounds = array<i64: 6, 64>}, {pipeline_mode = #tpu.pipeline_mode<synchronous>, transform_indices = @transform_2, window_bounds = array<i64: 6, 64>}, {pipeline_mode = #tpu.pipeline_mode<synchronous>, transform_indices = @transform_3, window_bounds = array<i64: 6, 64>}, {pipeline_mode = #tpu.pipeline_mode<synchronous>, transform_indices = @transform_4, window_bounds = array<i64: 3, 64>}, {transform_indices = @transform_5, window_bounds = array<i64: 512, 64>}, {transform_indices = @transform_6, window_bounds = array<i64: 512, 64>}, {transform_indices = @transform_7, window_bounds = array<i64: 512, 256>}]} {
    %get3A = arith.constant 0 : index
    %get3A_0 = arith.constant 0 : index
    %get3A_1 = vector.load %arg1[%get3A, %get3A_0] : memref<512x6xf32, #tpu.memory_space<vmem>>, vector<512x6xf32>
    %get3A_2 = arith.constant 0 : index
    %get3A_3 = arith.constant 0 : index
    %get3A_4 = vector.load %arg2[%get3A_2, %get3A_3] : memref<6x64xf32, #tpu.memory_space<vmem>>, vector<6x64xf32>
    %dot_general3A = arith.constant dense<0.000000e+00> : vector<512x64xf32>
    %dot_general3A_5 = tpu.matmul %get3A_1, %get3A_4, %dot_general3A {dimension_numbers = #tpu.dot_dimension_numbers<[1], [0], [0], [1], [0, 0, 1, 1], [], []>, transpose_lhs_hint = false} : vector<512x6xf32>, vector<6x64xf32>, vector<512x64xf32> -> vector<512x64xf32>
    %swap3A = arith.constant 0 : index
    %swap3A_6 = arith.constant 0 : index
    %swap3A_7 = vector.load %arg6[%swap3A, %swap3A_6] : memref<512x64xf32, #tpu.memory_space<vmem>>, vector<512x64xf32>
    tpu.vector_store %arg6[%swap3A, %swap3A_6], %dot_general3A_5 {strides = array<i32>} : memref<512x64xf32, #tpu.memory_space<vmem>>, vector<512x64xf32>,
    %get3A_8 = arith.constant 0 : index
    %get3A_9 = arith.constant 0 : index
    %get3A_10 = vector.load %arg3[%get3A_8, %get3A_9] : memref<6x64xf32, #tpu.memory_space<vmem>>, vector<6x64xf32>
    %dot_general3A_11 = arith.constant dense<0.000000e+00> : vector<512x64xf32>
    %dot_general3A_12 = tpu.matmul %get3A_1, %get3A_10, %dot_general3A_11 {dimension_numbers = #tpu.dot_dimension_numbers<[1], [0], [0], [1], [0, 0, 1, 1], [], []>, transpose_lhs_hint = false} : vector<512x6xf32>, vector<6x64xf32>, vector<512x64xf32> -> vector<512x64xf32>
    %get3A_13 = arith.constant 0 : index
    %get3A_14 = arith.constant 0 : index
    %get3A_15 = vector.load %arg4[%get3A_13, %get3A_14] : memref<6x64xf32, #tpu.memory_space<vmem>>, vector<6x64xf32>
    %dot_general3A_16 = arith.constant dense<0.000000e+00> : vector<512x64xf32>
    %dot_general3A_17 = tpu.matmul %get3A_1, %get3A_15, %dot_general3A_16 {dimension_numbers = #tpu.dot_dimension_numbers<[1], [0], [0], [1], [0, 0, 1, 1], [], []>, transpose_lhs_hint = false} : vector<512x6xf32>, vector<6x64xf32>, vector<512x64xf32> -> vector<512x64xf32>
    %slice3A = vector.extract_strided_slice %get3A_1 {offsets = [0, 0], sizes = [512, 3], strides = [1, 1]} : vector<512x6xf32> to vector<512x3xf32>
    %get3A_18 = arith.constant 0 : index
    %get3A_19 = arith.constant 0 : index
    %get3A_20 = vector.load %arg5[%get3A_18, %get3A_19] : memref<3x64xf32, #tpu.memory_space<vmem>>, vector<3x64xf32>
    %dot_general3A_21 = arith.constant dense<0.000000e+00> : vector<512x64xf32>
    %dot_general3A_22 = tpu.matmul %slice3A, %get3A_20, %dot_general3A_21 {dimension_numbers = #tpu.dot_dimension_numbers<[1], [0], [0], [1], [0, 0, 1, 1], [], []>, transpose_lhs_hint = false} : vector<512x3xf32>, vector<3x64xf32>, vector<512x64xf32> -> vector<512x64xf32>
    %swap3A_23 = arith.constant 0 : index
    %swap3A_24 = arith.constant 0 : index
    %swap3A_25 = vector.load %arg7[%swap3A_23, %swap3A_24] : memref<512x64xf32, #tpu.memory_space<vmem>>, vector<512x64xf32>
    tpu.vector_store %arg7[%swap3A_23, %swap3A_24], %dot_general3A_22 {strides = array<i32>} : memref<512x64xf32, #tpu.memory_space<vmem>>, vector<512x64xf32>,
    %swap3A_26 = arith.constant 0 : index
    %swap3A_27 = arith.constant 0 : index
    %swap3A_28 = vector.load %arg8[%swap3A_26, %swap3A_27] : memref<512x256xf32, #tpu.memory_space<vmem>>, vector<512x64xf32>
    tpu.vector_store %arg8[%swap3A_26, %swap3A_27], %dot_general3A_12 {strides = array<i32>} : memref<512x256xf32, #tpu.memory_space<vmem>>, vector<512x64xf32>,
    %swap3A_29 = arith.constant 0 : index
    %swap3A_30 = arith.constant 64 : index
    %swap3A_31 = vector.load %arg8[%swap3A_29, %swap3A_30] : memref<512x256xf32, #tpu.memory_space<vmem>>, vector<512x64xf32>
    tpu.vector_store %arg8[%swap3A_29, %swap3A_30], %dot_general3A_17 {strides = array<i32>} : memref<512x256xf32, #tpu.memory_space<vmem>>, vector<512x64xf32>,
    %swap3A_32 = arith.constant 0 : index
    %swap3A_33 = arith.constant 128 : index
    %swap3A_34 = vector.load %arg8[%swap3A_32, %swap3A_33] : memref<512x256xf32, #tpu.memory_space<vmem>>, vector<512x64xf32>
    tpu.vector_store %arg8[%swap3A_32, %swap3A_33], %dot_general3A_22 {strides = array<i32>} : memref<512x256xf32, #tpu.memory_space<vmem>>, vector<512x64xf32>,
    %broadcast_in_dim3A = arith.constant 0.000000e+00 : f32
    %broadcast_in_dim3A_35 = vector.broadcast %broadcast_in_dim3A : f32 to vector<512x64xf32>
    %swap3A_36 = arith.constant 0 : index
    %swap3A_37 = arith.constant 192 : index
    %swap3A_38 = vector.load %arg8[%swap3A_36, %swap3A_37] : memref<512x256xf32, #tpu.memory_space<vmem>>, vector<512x64xf32>
    tpu.vector_store %arg8[%swap3A_36, %swap3A_37], %broadcast_in_dim3A_35 {strides = array<i32>} : memref<512x256xf32, #tpu.memory_space<vmem>>, vector<512x64xf32>,
    return
  }
  func.func @transform_0(%arg0: i32) -> (i32, i32) {
    %c0_i32 = arith.constant 0 : i32
    %c0_i32_0 = arith.constant 0 : i32
    return %arg0, %c0_i32 : i32, i32
  }
  func.func @transform_1(%arg0: i32) -> (i32, i32) {
    %c0_i32 = arith.constant 0 : i32
    %c0_i32_0 = arith.constant 0 : i32
    %c0_i32_1 = arith.constant 0 : i32
    return %c0_i32, %c0_i32_0 : i32, i32
  }
  func.func @transform_2(%arg0: i32) -> (i32, i32) {
    %c0_i32 = arith.constant 0 : i32
    %c0_i32_0 = arith.constant 0 : i32
    %c0_i32_1 = arith.constant 0 : i32
    return %c0_i32, %c0_i32_0 : i32, i32
  }
  func.func @transform_3(%arg0: i32) -> (i32, i32) {
    %c0_i32 = arith.constant 0 : i32
    %c0_i32_0 = arith.constant 0 : i32
    %c0_i32_1 = arith.constant 0 : i32
    return %c0_i32, %c0_i32_0 : i32, i32
  }
  func.func @transform_4(%arg0: i32) -> (i32, i32) {
    %c0_i32 = arith.constant 0 : i32
    %c0_i32_0 = arith.constant 0 : i32
    %c0_i32_1 = arith.constant 0 : i32
    return %c0_i32, %c0_i32_0 : i32, i32
  }
  func.func @transform_5(%arg0: i32) -> (i32, i32) {
    %c0_i32 = arith.constant 0 : i32
    %c0_i32_0 = arith.constant 0 : i32
    return %arg0, %c0_i32 : i32, i32
  }
  func.func @transform_6(%arg0: i32) -> (i32, i32) {
    %c0_i32 = arith.constant 0 : i32
    %c0_i32_0 = arith.constant 0 : i32
    return %arg0, %c0_i32 : i32, i32
  }
  func.func @transform_7(%arg0: i32) -> (i32, i32) {
    %c0_i32 = arith.constant 0 : i32
    %c0_i32_0 = arith.constant 0 : i32
    return %arg0, %c0_i32 : i32, i32
  }
}

module attributes {stable_mosaic.version = 14 : i64} {
  func.func @_mlp_body(%arg0: i32, %arg1: memref<36x256x256xf32, #tpu.memory_space<vmem>>, %arg2: memref<256x64xf32, #tpu.memory_space<vmem>>, %arg3: memref<256x64xf32, #tpu.memory_space<vmem>>, %arg4: memref<1x64xf32, #tpu.memory_space<vmem>>, %arg5: memref<64x64xf32, #tpu.memory_space<vmem>>, %arg6: memref<1x64xf32, #tpu.memory_space<vmem>>, %arg7: memref<64x64xf32, #tpu.memory_space<vmem>>, %arg8: memref<1x64xf32, #tpu.memory_space<vmem>>, %arg9: memref<64x64xf32, #tpu.memory_space<vmem>>, %arg10: memref<1x64xf32, #tpu.memory_space<vmem>>, %arg11: memref<64x17xf32, #tpu.memory_space<vmem>>, %arg12: memref<1x17xf32, #tpu.memory_space<vmem>>, %arg13: memref<256x17xf32, #tpu.memory_space<vmem>>) attributes {dimension_semantics = [#tpu.dimension_semantics<arbitrary>], iteration_bounds = array<i64: 8>, scalar_prefetch = 0 : i64, scratch_operands = 0 : i64, tpu.core_type = #tpu.core_type<tc>, window_params = [{transform_indices = @transform_0, window_bounds = array<i64: 36, 256, 256>}, {transform_indices = @transform_1, window_bounds = array<i64: 256, 64>}, {transform_indices = @transform_2, window_bounds = array<i64: 256, 64>}, {pipeline_mode = #tpu.pipeline_mode<synchronous>, transform_indices = @transform_3, window_bounds = array<i64: 1, 64>}, {pipeline_mode = #tpu.pipeline_mode<synchronous>, transform_indices = @transform_4, window_bounds = array<i64: 64, 64>}, {pipeline_mode = #tpu.pipeline_mode<synchronous>, transform_indices = @transform_5, window_bounds = array<i64: 1, 64>}, {pipeline_mode = #tpu.pipeline_mode<synchronous>, transform_indices = @transform_6, window_bounds = array<i64: 64, 64>}, {pipeline_mode = #tpu.pipeline_mode<synchronous>, transform_indices = @transform_7, window_bounds = array<i64: 1, 64>}, {pipeline_mode = #tpu.pipeline_mode<synchronous>, transform_indices = @transform_8, window_bounds = array<i64: 64, 64>}, {pipeline_mode = #tpu.pipeline_mode<synchronous>, transform_indices = @transform_9, window_bounds = array<i64: 1, 64>}, {pipeline_mode = #tpu.pipeline_mode<synchronous>, transform_indices = @transform_10, window_bounds = array<i64: 64, 17>}, {pipeline_mode = #tpu.pipeline_mode<synchronous>, transform_indices = @transform_11, window_bounds = array<i64: 1, 17>}, {transform_indices = @transform_12, window_bounds = array<i64: 256, 17>}]} {
    %get3A = arith.constant 0 : index
    %get3A_0 = arith.constant 0 : index
    %get3A_1 = arith.constant 0 : index
    %get3A_2 = vector.load %arg1[%get3A, %get3A_0, %get3A_1] : memref<36x256x256xf32, #tpu.memory_space<vmem>>, vector<36x256x256xf32>
    %slice3A = vector.extract_strided_slice %get3A_2 {offsets = [0, 0, 0], sizes = [36, 256, 64], strides = [1, 1, 1]} : vector<36x256x256xf32> to vector<36x256x64xf32>
    %reshape3A = vector.shape_cast %slice3A : vector<36x256x64xf32> to vector<9216x64xf32>
    %slice3A_3 = vector.extract_strided_slice %get3A_2 {offsets = [0, 0, 64], sizes = [36, 256, 64], strides = [1, 1, 1]} : vector<36x256x256xf32> to vector<36x256x64xf32>
    %reshape3A_4 = vector.shape_cast %slice3A_3 : vector<36x256x64xf32> to vector<9216x64xf32>
    %slice3A_5 = vector.extract_strided_slice %get3A_2 {offsets = [0, 0, 128], sizes = [36, 256, 64], strides = [1, 1, 1]} : vector<36x256x256xf32> to vector<36x256x64xf32>
    %get3A_6 = arith.constant 0 : index
    %get3A_7 = arith.constant 0 : index
    %get3A_8 = vector.load %arg3[%get3A_6, %get3A_7] : memref<256x64xf32, #tpu.memory_space<vmem>>, vector<256x64xf32>
    %broadcast_in_dim3A = vector.shape_cast %get3A_8 : vector<256x64xf32> to vector<1x256x64xf32>
    %sub3A = vector.broadcast %broadcast_in_dim3A : vector<1x256x64xf32> to vector<36x256x64xf32>
    %sub3A_9 = arith.subf %slice3A_5, %sub3A : vector<36x256x64xf32>
    %get3A_10 = arith.constant 0 : index
    %get3A_11 = arith.constant 0 : index
    %get3A_12 = vector.load %arg4[%get3A_10, %get3A_11] : memref<1x64xf32, #tpu.memory_space<vmem>>, vector<1x64xf32>
    %reshape3A_13 = vector.shape_cast %get3A_12 : vector<1x64xf32> to vector<1x1x64xf32>
    %add3A = vector.broadcast %reshape3A_13 : vector<1x1x64xf32> to vector<36x256x64xf32>
    %add3A_14 = arith.addf %sub3A_9, %add3A : vector<36x256x64xf32>
    %max3A = arith.constant 0.000000e+00 : f32
    %max3A_15 = vector.broadcast %max3A : f32 to vector<36x256x64xf32>
    %max3A_16 = arith.maximumf %add3A_14, %max3A_15 : vector<36x256x64xf32>
    %reshape3A_17 = vector.shape_cast %max3A_16 : vector<36x256x64xf32> to vector<9216x64xf32>
    %get3A_18 = arith.constant 0 : index
    %get3A_19 = arith.constant 0 : index
    %get3A_20 = vector.load %arg5[%get3A_18, %get3A_19] : memref<64x64xf32, #tpu.memory_space<vmem>>, vector<64x64xf32>
    %dot_general3A = arith.constant dense<0.000000e+00> : vector<9216x64xf32>
    %dot_general3A_21 = tpu.matmul %reshape3A_17, %get3A_20, %dot_general3A {dimension_numbers = #tpu.dot_dimension_numbers<[1], [0], [0], [1], [0, 0, 1, 1], [], []>, transpose_lhs_hint = false} : vector<9216x64xf32>, vector<64x64xf32>, vector<9216x64xf32> -> vector<9216x64xf32>
    %get3A_22 = arith.constant 0 : index
    %get3A_23 = arith.constant 0 : index
    %get3A_24 = vector.load %arg6[%get3A_22, %get3A_23] : memref<1x64xf32, #tpu.memory_space<vmem>>, vector<1x64xf32>
    %add3A_25 = vector.broadcast %get3A_24 : vector<1x64xf32> to vector<9216x64xf32>
    %add3A_26 = arith.addf %dot_general3A_21, %add3A_25 : vector<9216x64xf32>
    %get3A_27 = arith.constant 0 : index
    %get3A_28 = arith.constant 0 : index
    %get3A_29 = vector.load %arg2[%get3A_27, %get3A_28] : memref<256x64xf32, #tpu.memory_space<vmem>>, vector<256x64xf32>
    %broadcast_in_dim3A_30 = vector.shape_cast %get3A_29 : vector<256x64xf32> to vector<1x256x64xf32>
    %broadcast_in_dim3A_31 = vector.shape_cast %broadcast_in_dim3A_30 : vector<1x256x64xf32> to vector<1x256x64xf32>
    %broadcast_in_dim3A_32 = vector.broadcast %broadcast_in_dim3A_31 : vector<1x256x64xf32> to vector<36x256x64xf32>
    %reshape3A_33 = vector.shape_cast %broadcast_in_dim3A_32 : vector<36x256x64xf32> to vector<9216x64xf32>
    %sub3A_34 = arith.subf %reshape3A_33, %reshape3A : vector<9216x64xf32>
    %add3A_35 = arith.addf %sub3A_34, %add3A_26 : vector<9216x64xf32>
    %get3A_36 = arith.constant 0 : index
    %get3A_37 = arith.constant 0 : index
    %get3A_38 = vector.load %arg7[%get3A_36, %get3A_37] : memref<64x64xf32, #tpu.memory_space<vmem>>, vector<64x64xf32>
    %dot_general3A_39 = arith.constant dense<0.000000e+00> : vector<9216x64xf32>
    %dot_general3A_40 = tpu.matmul %add3A_35, %get3A_38, %dot_general3A_39 {dimension_numbers = #tpu.dot_dimension_numbers<[1], [0], [0], [1], [0, 0, 1, 1], [], []>, transpose_lhs_hint = false} : vector<9216x64xf32>, vector<64x64xf32>, vector<9216x64xf32> -> vector<9216x64xf32>
    %get3A_41 = arith.constant 0 : index
    %get3A_42 = arith.constant 0 : index
    %get3A_43 = vector.load %arg8[%get3A_41, %get3A_42] : memref<1x64xf32, #tpu.memory_space<vmem>>, vector<1x64xf32>
    %add3A_44 = vector.broadcast %get3A_43 : vector<1x64xf32> to vector<9216x64xf32>
    %add3A_45 = arith.addf %dot_general3A_40, %add3A_44 : vector<9216x64xf32>
    %max3A_46 = arith.constant 0.000000e+00 : f32
    %max3A_47 = vector.broadcast %max3A_46 : f32 to vector<9216x64xf32>
    %max3A_48 = arith.maximumf %add3A_45, %max3A_47 : vector<9216x64xf32>
    %get3A_49 = arith.constant 0 : index
    %get3A_50 = arith.constant 0 : index
    %get3A_51 = vector.load %arg9[%get3A_49, %get3A_50] : memref<64x64xf32, #tpu.memory_space<vmem>>, vector<64x64xf32>
    %dot_general3A_52 = arith.constant dense<0.000000e+00> : vector<9216x64xf32>
    %dot_general3A_53 = tpu.matmul %max3A_48, %get3A_51, %dot_general3A_52 {dimension_numbers = #tpu.dot_dimension_numbers<[1], [0], [0], [1], [0, 0, 1, 1], [], []>, transpose_lhs_hint = false} : vector<9216x64xf32>, vector<64x64xf32>, vector<9216x64xf32> -> vector<9216x64xf32>
    %get3A_54 = arith.constant 0 : index
    %get3A_55 = arith.constant 0 : index
    %get3A_56 = vector.load %arg10[%get3A_54, %get3A_55] : memref<1x64xf32, #tpu.memory_space<vmem>>, vector<1x64xf32>
    %add3A_57 = vector.broadcast %get3A_56 : vector<1x64xf32> to vector<9216x64xf32>
    %add3A_58 = arith.addf %dot_general3A_53, %add3A_57 : vector<9216x64xf32>
    %reshape3A_59 = vector.shape_cast %add3A_58 : vector<9216x64xf32> to vector<36x256x64xf32>
    %reduce_max3A = arith.constant dense<0xFF800000> : vector<256x64xf32>
    %reduce_max3A_60 = vector.multi_reduction <maximumf>, %reshape3A_59, %reduce_max3A [0] : vector<36x256x64xf32> to vector<256x64xf32>
    %broadcast_in_dim3A_61 = vector.shape_cast %reduce_max3A_60 : vector<256x64xf32> to vector<1x256x64xf32>
    %sub3A_62 = vector.broadcast %broadcast_in_dim3A_61 : vector<1x256x64xf32> to vector<36x256x64xf32>
    %sub3A_63 = arith.subf %reshape3A_59, %sub3A_62 : vector<36x256x64xf32>
    %exp3A = math.exp %sub3A_63 : vector<36x256x64xf32>
    %reduce_sum3A = arith.constant dense<0.000000e+00> : vector<256x64xf32>
    %reduce_sum3A_64 = vector.multi_reduction <add>, %exp3A, %reduce_sum3A [0] : vector<36x256x64xf32> to vector<256x64xf32>
    %broadcast_in_dim3A_65 = vector.shape_cast %reduce_sum3A_64 : vector<256x64xf32> to vector<1x256x64xf32>
    %div3A = vector.broadcast %broadcast_in_dim3A_65 : vector<1x256x64xf32> to vector<36x256x64xf32>
    %div3A_66 = arith.divf %exp3A, %div3A : vector<36x256x64xf32>
    %add3A_67 = arith.addf %reshape3A_4, %add3A_26 : vector<9216x64xf32>
    %reshape3A_68 = vector.shape_cast %add3A_67 : vector<9216x64xf32> to vector<36x256x64xf32>
    %mul3A = arith.mulf %div3A_66, %reshape3A_68 : vector<36x256x64xf32>
    %reduce_sum3A_69 = arith.constant dense<0.000000e+00> : vector<256x64xf32>
    %reduce_sum3A_70 = vector.multi_reduction <add>, %mul3A, %reduce_sum3A_69 [0] : vector<36x256x64xf32> to vector<256x64xf32>
    %get3A_71 = arith.constant 0 : index
    %get3A_72 = arith.constant 0 : index
    %get3A_73 = vector.load %arg11[%get3A_71, %get3A_72] : memref<64x17xf32, #tpu.memory_space<vmem>>, vector<64x17xf32>
    %dot_general3A_74 = arith.constant dense<0.000000e+00> : vector<256x17xf32>
    %dot_general3A_75 = tpu.matmul %reduce_sum3A_70, %get3A_73, %dot_general3A_74 {dimension_numbers = #tpu.dot_dimension_numbers<[1], [0], [0], [1], [0, 0, 1, 1], [], []>, transpose_lhs_hint = false} : vector<256x64xf32>, vector<64x17xf32>, vector<256x17xf32> -> vector<256x17xf32>
    %get3A_76 = arith.constant 0 : index
    %get3A_77 = arith.constant 0 : index
    %get3A_78 = vector.load %arg12[%get3A_76, %get3A_77] : memref<1x17xf32, #tpu.memory_space<vmem>>, vector<1x17xf32>
    %add3A_79 = vector.broadcast %get3A_78 : vector<1x17xf32> to vector<256x17xf32>
    %add3A_80 = arith.addf %dot_general3A_75, %add3A_79 : vector<256x17xf32>
    %swap3A = arith.constant 0 : index
    %swap3A_81 = arith.constant 0 : index
    %swap3A_82 = vector.load %arg13[%swap3A, %swap3A_81] : memref<256x17xf32, #tpu.memory_space<vmem>>, vector<256x17xf32>
    tpu.vector_store %arg13[%swap3A, %swap3A_81], %add3A_80 {strides = array<i32>} : memref<256x17xf32, #tpu.memory_space<vmem>>, vector<256x17xf32>,
    return
  }
  func.func @transform_0(%arg0: i32) -> (i32, i32, i32) {
    %c0_i32 = arith.constant 0 : i32
    %c0_i32_0 = arith.constant 0 : i32
    %c0_i32_1 = arith.constant 0 : i32
    return %c0_i32, %arg0, %c0_i32_0 : i32, i32, i32
  }
  func.func @transform_1(%arg0: i32) -> (i32, i32) {
    %c0_i32 = arith.constant 0 : i32
    %c0_i32_0 = arith.constant 0 : i32
    return %arg0, %c0_i32 : i32, i32
  }
  func.func @transform_2(%arg0: i32) -> (i32, i32) {
    %c0_i32 = arith.constant 0 : i32
    %c0_i32_0 = arith.constant 0 : i32
    return %arg0, %c0_i32 : i32, i32
  }
  func.func @transform_3(%arg0: i32) -> (i32, i32) {
    %c0_i32 = arith.constant 0 : i32
    %c0_i32_0 = arith.constant 0 : i32
    %c0_i32_1 = arith.constant 0 : i32
    return %c0_i32, %c0_i32_0 : i32, i32
  }
  func.func @transform_4(%arg0: i32) -> (i32, i32) {
    %c0_i32 = arith.constant 0 : i32
    %c0_i32_0 = arith.constant 0 : i32
    %c0_i32_1 = arith.constant 0 : i32
    return %c0_i32, %c0_i32_0 : i32, i32
  }
  func.func @transform_5(%arg0: i32) -> (i32, i32) {
    %c0_i32 = arith.constant 0 : i32
    %c0_i32_0 = arith.constant 0 : i32
    %c0_i32_1 = arith.constant 0 : i32
    return %c0_i32, %c0_i32_0 : i32, i32
  }
  func.func @transform_6(%arg0: i32) -> (i32, i32) {
    %c0_i32 = arith.constant 0 : i32
    %c0_i32_0 = arith.constant 0 : i32
    %c0_i32_1 = arith.constant 0 : i32
    return %c0_i32, %c0_i32_0 : i32, i32
  }
  func.func @transform_7(%arg0: i32) -> (i32, i32) {
    %c0_i32 = arith.constant 0 : i32
    %c0_i32_0 = arith.constant 0 : i32
    %c0_i32_1 = arith.constant 0 : i32
    return %c0_i32, %c0_i32_0 : i32, i32
  }
  func.func @transform_8(%arg0: i32) -> (i32, i32) {
    %c0_i32 = arith.constant 0 : i32
    %c0_i32_0 = arith.constant 0 : i32
    %c0_i32_1 = arith.constant 0 : i32
    return %c0_i32, %c0_i32_0 : i32, i32
  }
  func.func @transform_9(%arg0: i32) -> (i32, i32) {
    %c0_i32 = arith.constant 0 : i32
    %c0_i32_0 = arith.constant 0 : i32
    %c0_i32_1 = arith.constant 0 : i32
    return %c0_i32, %c0_i32_0 : i32, i32
  }
  func.func @transform_10(%arg0: i32) -> (i32, i32) {
    %c0_i32 = arith.constant 0 : i32
    %c0_i32_0 = arith.constant 0 : i32
    %c0_i32_1 = arith.constant 0 : i32
    return %c0_i32, %c0_i32_0 : i32, i32
  }
  func.func @transform_11(%arg0: i32) -> (i32, i32) {
    %c0_i32 = arith.constant 0 : i32
    %c0_i32_0 = arith.constant 0 : i32
    %c0_i32_1 = arith.constant 0 : i32
    return %c0_i32, %c0_i32_0 : i32, i32
  }
  func.func @transform_12(%arg0: i32) -> (i32, i32) {
    %c0_i32 = arith.constant 0 : i32
    %c0_i32_0 = arith.constant 0 : i32
    return %arg0, %c0_i32 : i32, i32
  }
}

</mosaic_0001>

<sc_bundles>
// kernel: kernel.15.cloned.1.call-start
scs
__scs_entry_jumppad:
0x0: {  	(pc) =	sbr.rel $0x88, $3  }
0x1: {  	(tag) =	ssettag $0x0;
	lr =	simm.s32 $0x1  }
0x2: {  	[smem:$0x3F93] =	sst lr;
	_ =	strace $0xD0000000  }
0x3: {  	_ = 	snop  }
0x4: {  	_ = 	snop  }
0x5: {  	_ = 	snop  }
0x6: {  	_ = 	snop  }
0x7: {  	_ = 	snop  }
__scs_overlays_trampoline_lowered:
0x8: {  	[smem:$0x3FA2] =	sst s0  }
0x9: {  	[smem:$0x3FA3] =	sst s1  }
0xa: {  	[smem:$0x3FA4] =	sst s2  }
0xb: {  	[smem:$0x3FA5] =	sst s3  }
0xc: {  	[smem:$0x3FA6] =	sst s4  }
0xd: {  	[smem:$0x3FA7] =	sst s5  }
0xe: {  	[smem:$0x3FA8] =	sst s6  }
0xf: {  	[smem:$0x3FA9] =	sst s7  }
0x10: {  	[smem:$0x3FAA] =	sst s8  }
0x11: {  	[smem:$0x3FAB] =	sst s9;
	s0 =	simm.s32 @!p0 $0x0  }
0x12: {  	s1 =	sld [smem:$0x3F91];
	s0 =	simm.s32 @p0 $0x1  }
0x13: {  	[smem:$0x3FAC] =	sst s0;
	s0 =	simm.s32 @!p1 $0x0  }
0x14: {  	s2 =	sld [smem:$0x3F90];
	s0 =	simm.s32 @p1 $0x1  }
0x15: {  	[smem:$0x3FAD] =	sst s0;
	s0 =	simm.s32 @!p2 $0x0  }
0x16: {  	s3 =	sld [smem:$0x3FDB];
	s0 =	simm.s32 @p2 $0x1  }
0x17: {  	s4 =	simm.s32 $0x1BF5;
	[smem:$0x3FAF] =	sst s0  }
0x18: {  	s0 =	sld [smem:$0x3F92];
	_ =	swait.ge [sflag:s4], $0x0  }
0x19: {  	s7 =	sld [smem:$0x3F93]  }
0x1a: {  	s8 =	sadd.s32 $0xFFFFE003, lr  }
0x1b: {  	s9 =	sadd.s32 $0xFFFFFEF7, lr;
	s5 =	simm.s32 $0xFFFFFFFF;
	p2 =	slt.u32 s8, $0xFFFFF086  }
0x1c: {  	p1 =	slt.u32 s9, $0xF7A;
	s5 =	simm.s32 @!p2 $0x0  }
0x1d: {  	s5 =	simm.s32 @p1 $0x1;
	p0 =	seq.s32 s7, s2  }
0x1e: {  	s7 =	smul.u32 @!p0 $0xF7A, s2;
	p2 =	seq.s32 @!p0 s5, $0x0  }
0x1f: {  	s9 =	smul.u32 $0xF7A, s1;
	s8 =	simm.s32 @!p0 $0x1BF5;
	p2 =	por !p2, p0  }
0x20: {  	[sflag:s8] =	ssyncset.s32 @!p0 $0xFFFFF086;
	s6 =	sadd.s32 @!p0 s3, s7;
	s7 =	simm.s32 @!p0 $0x108  }
0x21: {  	s3 =	sadd.s32 s3, s9;
	s6 =	sadd.s32 @!p0 $0x88, s6;
	s7 =	simm.s32 @p2 $0x1082  }
0x22: {  	[simem:s7], [sflag:s8] =	dma.local @!p0 [hbm:s6], $0xF7A  }
0x23: {  	s9 =	sor.u32 $0xD0000000, s2;
	s6 =	simm.s32 $0x108;
	_ =	swait.ge @!p0 [sflag:s8], $0x0  }
0x24: {  	s3 =	sadd.s32 $0x88, s3;
	s6 =	simm.s32 @!p1 $0x1082;
	[sflag:s4] =	ssyncset.s32 $0xFFFFF086  }
0x25: {  	[simem:s6], [sflag:s4] =	dma.local [hbm:s3], $0xF7A  }
0x26: {  	[smem:$0x3F93] =	sst s1;
	(tag) =	ssettag s2;
	_ =	strace s9  }
0x27: {  	s1 =	sld [smem:$0x3FA3]  }
0x28: {  	s2 =	sld [smem:$0x3FA4]  }
0x29: {  	s4 =	sld [smem:$0x3FA6]  }
0x2a: {  	p0 =	seq.s32 s5, $0x0;
	s5 =	sld [smem:$0x3FA7]  }
0x2b: {  	s6 =	sld [smem:$0x3FA8]  }
0x2c: {  	s7 =	sld [smem:$0x3FA9]  }
0x2d: {  	s3 =	simm.s32 $0x108;
	s8 =	sld [smem:$0x3FAA]  }
0x2e: {  	s3 =	simm.s32 @!p0 $0x1082;
	s9 =	sld [smem:$0x3FAB]  }
0x2f: {  	lr =	sadd.s32 s0, s3;
	s0 =	sld [smem:$0x3FA2]  }
0x30: {  	s3 =	sld [smem:$0x3FA5]  }
0x31: {  	[smem:$0x3FAE] =	sst s10  }
0x32: {  	s10 =	sld [smem:$0x3FAC];
	_ =	sdelay $0x3  }
0x33: {  	p0 =	seq.s32 s10, $0x1;
	s10 =	sld [smem:$0x3FAE];
	_ =	sdelay $0x3  }
0x34: {  	[smem:$0x3FAE] =	sst s10  }
0x35: {  	s10 =	sld [smem:$0x3FAD];
	_ =	sdelay $0x3  }
0x36: {  	p1 =	seq.s32 s10, $0x1;
	s10 =	sld [smem:$0x3FAE];
	_ =	sdelay $0x3  }
0x37: {  	[smem:$0x3FAE] =	sst s10  }
0x38: {  	s10 =	sld [smem:$0x3FAF]  }
0x39: {  	_ = 	snop;
	(pc) =	sbr.ind lr, $3  }
0x3a: {  	_ = 	snop  }
0x3b: {  	_ = 	snop  }
0x3c: {  	p2 =	seq.s32 s10, $0x1;
	s10 =	sld [smem:$0x3FAE]  }
0x3d: {  	_ =	shalt  }
0x3e: {  	_ =	shalt  }
0x3f: {  	_ =	shalt  }
0x40: {  	_ =	shalt  }
0x41: {  	_ =	shalt  }
0x42: {  	_ =	shalt  }
0x43: {  	_ =	shalt  }
0x44: {  	_ =	shalt  }
0x45: {  	_ =	shalt  }
0x46: {  	_ =	shalt  }
0x47: {  	_ =	shalt  }
0x48: {  	_ =	shalt  }
0x49: {  	_ =	shalt  }
0x4a: {  	_ =	shalt  }
0x4b: {  	_ =	shalt  }
0x4c: {  	_ =	shalt  }
0x4d: {  	_ =	shalt  }
0x4e: {  	_ =	shalt  }
0x4f: {  	_ =	shalt  }
0x50: {  	_ =	shalt  }
0x51: {  	_ =	shalt  }
0x52: {  	_ =	shalt  }
0x53: {  	_ =	shalt  }
0x54: {  	_ =	shalt  }
0x55: {  	_ =	shalt  }
0x56: {  	_ =	shalt  }
0x57: {  	_ =	shalt  }
0x58: {  	_ =	shalt  }
0x59: {  	_ =	shalt  }
0x5a: {  	_ =	shalt  }
0x5b: {  	_ =	shalt  }
0x5c: {  	_ =	shalt  }
0x5d: {  	_ =	shalt  }
0x5e: {  	_ =	shalt  }
0x5f: {  	_ =	shalt  }
0x60: {  	_ =	shalt  }
0x61: {  	_ =	shalt  }
0x62: {  	_ =	shalt  }
0x63: {  	_ =	shalt  }
0x64: {  	_ =	shalt  }
0x65: {  	_ =	shalt  }
0x66: {  	_ =	shalt  }
0x67: {  	_ =	shalt  }
0x68: {  	_ =	shalt  }
0x69: {  	_ =	shalt  }
0x6a: {  	_ =	shalt  }
0x6b: {  	_ =	shalt  }
0x6c: {  	_ =	shalt  }
0x6d: {  	_ =	shalt  }
0x6e: {  	_ =	shalt  }
0x6f: {  	_ =	shalt  }
0x70: {  	_ =	shalt  }
0x71: {  	_ =	shalt  }
0x72: {  	_ =	shalt  }
0x73: {  	_ =	shalt  }
0x74: {  	_ =	shalt  }
0x75: {  	_ =	shalt  }
0x76: {  	_ =	shalt  }
0x77: {  	_ =	shalt  }
0x78: {  	_ =	shalt  }
0x79: {  	_ =	shalt  }
0x7a: {  	_ =	shalt  }
0x7b: {  	_ =	shalt  }
0x7c: {  	_ =	shalt  }
0x7d: {  	_ =	shalt  }
0x7e: {  	_ =	shalt  }
0x7f: {  	_ =	shalt  }
0x80: {  	_ =	shalt  }
0x81: {  	_ =	shalt  }
0x82: {  	_ =	shalt  }
0x83: {  	_ =	shalt  }
0x84: {  	_ =	shalt  }
0x85: {  	_ =	shalt  }
0x86: {  	_ =	shalt  }
0x87: {  	_ =	shalt  }
.Lfunc_end0:
.L_simem_size_0:
called_computation_lowered:
.L_overlay_start_0:
0x88: {  	s2 =	sld [smem:$0x3FD9]  }
0x89: {  	s3 =	sld [smem:$0x3FFE];
	_ =	sdelay $0x1  }
0x8a: {  	s1 =	srdreg.scid  }
0x8b: {  	s0 =	sand.u32 $0x1, s1  }
0x8c: {  	s17 =	sshll.u32 s0, $0xA;
	s2 =	sadd.s32 s3, s2  }
0x8d: {  	s2 =	sadd.s32 s2, s17  }
0x8e: {  	[smem:$0x3FBA] =	sst s2  }
0x8f: {  	_ = 	snop  }
0x90: {  	(tm) =	ssettm $0x1  }
0x91: {  	s18 =	sld [smem:$0x3FFB];
	_ =	sdelay $0x3  }
0x92: {  	_ =	strace s18  }
0x93: {  	s2 =	sld [smem:$0x3FFC];
	_ =	sdelay $0x3  }
0x94: {  	_ =	strace s2  }
0x95: {  	s2 =	sld [smem:$0x3FFD];
	_ =	sdelay $0x3  }
0x96: {  	_ =	strace s2  }
0x97: {  	_ =	strace $0x8FFFFFFF  }
0x98: {  	s19 =	sld [smem:$0x3FDB];
	_ =	sdelay $0x1  }
0x99: {  	s20 =	simm.s32 $_scs_section_size  }
0x9a: {  	s4 =	simm.s32 $_size__tile_overlayer_lowered;
	s5 =	simm.s32 $_tile_overlayer_lowered  }
0x9b: {  	s6 =	simm.s32 $0x1BFF;
	s21 =	sshll.u32 s5, $0x1;
	s3 =	sadd.s32 s20, s19  }
0x9c: {  	s22 =	simm.s32 $0x0;
	s4 =	sshll.u32 s4, $0x1;
	s5 =	sadd.s32 s21, s3  }
0x9d: {  	[timem:s22], [sflag:s6] =	dma.local [hbm:s5], s4  }
0x9e: {  	_ =	swait.ge [sflag:s6], s4  }
0x9f: {  	s4 =	ssub.s32 $0x0, s4;
	[sflag:s6] =	ssyncset.done $0x0  }
0xa0: {  	[sflag:s6] =	ssyncadd.s32 s4;
	_ =	sdelay $0x1  }
0xa1: {  	s23 =	simm.s32 $0x1B8B  }
0xa2: {  	_ =	swait.ge [sflag:s23], $0x1  }
0xa3: {  	[sflag:s23] =	ssyncset.done $0x0  }
0xa4: {  	[sflag:s23] =	ssyncadd.s32 $0xFFFFFFFF  }
0xa5: {  	s4 =	sld [smem:$0x0]  }
0xa6: {  	s5 =	sand.u32 $0xFFFFFFFE, s1  }
0xa7: {  	p0 =	sne.s32 s1, s5  }
0xa8: {  	s5 =	sshll.u32 @p0 s5, $0xE  }
0xa9: {  	s5 =	sadd.s32 @p0 $0x11B8D, s5;
	s6 =	sshll.u32 @p0 s4, $0x11  }
0xaa: {  	s5 =	sor.u32 @p0 s6, s5  }
0xab: {  	[sflag:s5] =	ssyncadd.remote.s32 @p0 $0x1;
	_ =	sdelay $0x1  }
0xac: {  	s5 =	simm.s32 @p0 $0x1B8D  }
0xad: {  	_ =	swait.eq @p0 [sflag:s5], $0x1  }
0xae: {  	[sflag:s5] =	ssyncadd.s32 @p0 $0xFFFFFFFF  }
0xaf: {  	s6 =	sshll.u32 @!p0 s1, $0xE  }
0xb0: {  	s6 =	sor.u32 @!p0 $0x4000, s6;
	s5 =	simm.s32 @!p0 $0x1B8D  }
0xb1: {  	s4 =	sshll.u32 @!p0 s4, $0x11;
	s6 =	sadd.s32 @!p0 $0x11B8D, s6;
	_ =	swait.eq @!p0 [sflag:s5], $0x1  }
0xb2: {  	s4 =	sor.u32 @!p0 s4, s6;
	[sflag:s5] =	ssyncadd.s32 @!p0 $0xFFFFFFFF  }
0xb3: {  	s25 =	simm.s32 $0x1B8E;
	s24 =	sld [smem:$0x3FFE];
	[sflag:s4] =	ssyncadd.remote.s32 @!p0 $0x1  }
0xb4: {  	s26 =	simm.s32 $execute0_lowered;
	[smem:$0x3FD2] =	sst s25  }
0xb5: {  	s5 =	sshll.u32 s26, $0x1;
	_ =	strace $0x8000004F;
	[dreg:$0x1] =	wrdreg $0xFFFFFFFF  }
0xb6: {  	s28 =	simm.s32 $_size_execute0_lowered;
	s3 =	sadd.s32 s3, s5;
	[dreg:$0x0] =	wrdreg $0x0  }
0xb7: {  	s5 =	sshll.u32 s28, $0x1;
	[dreg:$0x2] =	wrdreg s3  }
0xb8: {  	[dreg:$0x3] =	wrdreg s5  }
0xb9: {  	[dreg:$0x4] =	wrdreg $0xC0  }
0xba: {  	_ =	task [dreg:s22], $0x5FFFF  }
0xbb: {  	[dreg:$0x1] =	wrdreg $0xFFFFFFFF  }
0xbc: {  	[dreg:$0x0] =	wrdreg $0x60  }
0xbd: {  	[dreg:$0x2] =	wrdreg s24  }
0xbe: {  	[dreg:$0x3] =	wrdreg $0x9  }
0xbf: {  	_ =	task.clear_ibuf [dreg:s22], $0x4FFFF;
	_ =	strace $0x9000004F  }
0xc0: {  	s29 =	simm.s32 $0x9;
	_ =	strace $0x80000051  }
0xc1: {  	_ =	swait.ge [sflag:s29], $0x1  }
0xc2: {  	[sflag:s29] =	ssyncadd.s32 $0xFFFFFFFF  }
0xc3: {  	_ =	strace $0x90000051  }
0xc4: {  	_ =	sfence  }
0xc5: {  	s30 =	sld [smem:$0x0];
	_ =	sdelay $0x2  }
0xc6: {  	s31 =	sshll.u32 s1, $0xD;
	s1 =	sshrl.u32 s1, $0x2  }
0xc7: {  	s4 =	sand.u32 $0x4000, s31;
	s1 =	sadd.s32 s1, s30  }
0xc8: {  	s0 =	sor.u32 s4, s0;
	s1 =	sshll.u32 s1, $0x11  }
0xc9: {  	s0 =	sor.u32 s1, s0  }
0xca: {  	s0 =	sadd.s32 $0x8F2B, s0  }
0xcb: {  	[sflag:s0] =	ssyncadd.remote.s32 $0x1  }
0xcc: {  	_ =	sfence.sel $0xFFFF  }
0xcd: {  	[dreg:$0x0] =	wrdreg $0xFFFFFFFF;
	(pc) =	sbr.abs _section_cstart, $3  }
0xce: {  	[dreg:$0x1] =	wrdreg $0xFFFFFFFF  }
0xcf: {  	_ =	task.clear_ibuf [dreg:s22], $0x2FFFF;
	_ =	strace $0x9FFFFFFF  }
0xd0: {  	(tm) =	ssettm $0x7FFFFFFF  }
0xd1: {  	_ =	shalt  }
tec
execute0_lowered:
.L_overlay_start_1:
0x0: {  	(tag) =	ssettag $0x1  }
0x1: {  	s4 =	rddreg [dreg:$0x0]  }
0x2: {  	s0 =	rddreg [dreg:$0x1];
	s2 =	simm.s32 $0x0;
	s3 =	srdreg.scid  }
0x3: {  	s1 =	stileid.u32;
	s10 =	simm.s32 $0x1080;
	s11 =	simm.s32 $0x1880  }
0x4: {  	s12 =	simm.s32 $0x2080;
	s13 =	simm.s32 $0x2880;
	s14 =	simm.s32 $0x3080  }
0x5: {  	s15 =	simm.s32 $0x3880;
	s16 =	simm.s32 $0x4080;
	s17 =	simm.s32 $0x4880  }
0x6: {  	s18 =	simm.s32 $0x5080;
	s19 =	simm.s32 $0x5880;
	s20 =	simm.s32 $0x6080  }
0x7: {  	s21 =	simm.s32 $0x6880;
	s22 =	simm.s32 $0x7080;
	s23 =	simm.s32 $0x7880  }
0x8: {  	s24 =	simm.s32 $0x1;
	s25 =	simm.s32 $0x0;
	s6 =	smul.u32 $0x1200, s1  }
0x9: {  	[smem:$0x7FF] =	sst s2;
	s5 =	sand.u32 $0x1, s3;
	s8 =	smul.u32 $0x24000, s1  }
0xa: {  	s3 =	sadd.s32 $0x13E00, s4;
	s7 =	smul.u32 $0x900, s5;
	s9 =	ssub.s32 $0x2, s5  }
0xb: {  	_ =	strace $0x80000050;
	s5 =	smul.u32 $0x12000, s5;
	s31 =	sshrl.u32 s9, $0x1  }
0xc: {  	s8 =	sadd.s32 s8, s4;
	s6 =	sadd.s32 s7, s6;
	s7 =	ssub.s32 s9, s31  }
0xd: {  	v2 =	vlaneseq.u32;
	s5 =	sadd.s32 s5, s8;
	s8 =	simm.s32 $0x80;
	s6 =	sshrl.u32 s6, $0x3  }
0xe: {  	vm0 =	vmmov $0xffff;
	v1 =	vshrl.u32 v2, $0x3;
	s9 =	simm.s32 $0x880;
	s5 =	sadd.s32 $0x756200, s5;
	s6 =	sadd.s32 s6, s4  }
0xf: {  	v0 =	vand.u32 $0x7, v2;
	v2 =	vor.u32 $0x8, v2;
	v1 =	vmul.u32 $0x8, v1;
	s4 =	smax.u32 s7, $0x1;
	s7 =	simm.s32 $0x2;
	s6 =	sadd.s32 $0x6200, s6  }
.LBB2_1:
0x10: {  	s26 =	smov.u32 s5;
	s28 =	simm.s32 $0x0  }
.LBB2_2:
0x11: {  	s29 =	sadd.s32 s28, s6  }
0x12: {  	[tilespmem:s2], [sflag:$0x2] =	stream.linear.gather [hbm4b:s29+s2], $0x80, $0x38;
	[tilespmem:$0x8080] =	vst v63  }
0x13: {  	_ =	swait.ge [sflag:s7], $0x80  }
0x14: {  	[sflag:s7] =	ssyncset.done $0x0  }
0x15: {  	[sflag:s7] =	ssyncadd.s32 $0xFFFFFF80  }
0x16: {  	v3 =	vld [tilespmem:$0x0];
	_ =	sdelay $0x4  }
0x17: {  	v4 =	vshll.u32 v3, $0x1  }
0x18: {  	v3 =	vand.u32 $0x7, v3;
	v4 =	vand.u32 $0xFFFFFFF0, v4  }
0x19: {  	v3 =	vor.u32 v3, v4  }
0x1a: {  	v4 =	vperm.xlane v3, v0;
	_ =	sdelay $0x1  }
0x1b: {  	v3 =	vperm.xlane v3, v2;
	v4 =	vadd.s32 v1, v4;
	_ =	sdelay $0x1  }
0x1c: {  	v3 =	vadd.s32 v1, v3;
	_ =	sdelay $0x2  }
0x1d: {  	[tilespmem:s8], [sflag:$0x1] =	stream.indirect_vreg.gather [hbm4b:s3+s2], $0x80, v4, vm0, $0xb8;
	[tilespmem:$0x8080] =	vst v63  }
0x1e: {  	_ = 	snop  }
0x1f: {  	[tilespmem:s9], [sflag:$0x1] =	stream.indirect_vreg.gather [hbm4b:s3+s2], $0x80, v3, vm0, $0xb8;
	[tilespmem:$0x8080] =	vst v63  }
0x20: {  	v3 =	vld [tilespmem:$0x10];
	_ =	sdelay $0x4  }
0x21: {  	v57 =	vshll.u32 v3, $0x1  }
0x22: {  	v3 =	vand.u32 $0x7, v3;
	v4 =	vand.u32 $0xFFFFFFF0, v57  }
0x23: {  	v3 =	vor.u32 v3, v4  }
0x24: {  	v4 =	vperm.xlane v3, v0;
	_ =	sdelay $0x1  }
0x25: {  	v3 =	vperm.xlane v3, v2;
	v4 =	vadd.s32 v1, v4;
	_ =	sdelay $0x1  }
0x26: {  	v3 =	vadd.s32 v1, v3;
	_ =	sdelay $0x2  }
0x27: {  	[tilespmem:s10], [sflag:$0x1] =	stream.indirect_vreg.gather [hbm4b:s3+s2], $0x80, v4, vm0, $0xb8;
	[tilespmem:$0x8080] =	vst v63  }
0x28: {  	_ = 	snop  }
0x29: {  	[tilespmem:s11], [sflag:$0x1] =	stream.indirect_vreg.gather [hbm4b:s3+s2], $0x80, v3, vm0, $0xb8;
	[tilespmem:$0x8080] =	vst v63  }
0x2a: {  	v3 =	vld [tilespmem:$0x20];
	_ =	sdelay $0x4  }
0x2b: {  	v58 =	vshll.u32 v3, $0x1  }
0x2c: {  	v3 =	vand.u32 $0x7, v3;
	v4 =	vand.u32 $0xFFFFFFF0, v58  }
0x2d: {  	v3 =	vor.u32 v3, v4  }
0x2e: {  	v4 =	vperm.xlane v3, v0;
	_ =	sdelay $0x1  }
0x2f: {  	v3 =	vperm.xlane v3, v2;
	v4 =	vadd.s32 v1, v4;
	_ =	sdelay $0x1  }
0x30: {  	v3 =	vadd.s32 v1, v3;
	_ =	sdelay $0x2  }
0x31: {  	[tilespmem:s12], [sflag:$0x1] =	stream.indirect_vreg.gather [hbm4b:s3+s2], $0x80, v4, vm0, $0xb8;
	[tilespmem:$0x8080] =	vst v63  }
0x32: {  	_ = 	snop  }
0x33: {  	[tilespmem:s13], [sflag:$0x1] =	stream.indirect_vreg.gather [hbm4b:s3+s2], $0x80, v3, vm0, $0xb8;
	[tilespmem:$0x8080] =	vst v63  }
0x34: {  	v3 =	vld [tilespmem:$0x30];
	_ =	sdelay $0x4  }
0x35: {  	v59 =	vshll.u32 v3, $0x1  }
0x36: {  	v3 =	vand.u32 $0x7, v3;
	v4 =	vand.u32 $0xFFFFFFF0, v59  }
0x37: {  	v3 =	vor.u32 v3, v4  }
0x38: {  	v4 =	vperm.xlane v3, v0;
	_ =	sdelay $0x1  }
0x39: {  	v3 =	vperm.xlane v3, v2;
	v4 =	vadd.s32 v1, v4;
	_ =	sdelay $0x1  }
0x3a: {  	v3 =	vadd.s32 v1, v3;
	_ =	sdelay $0x2  }
0x3b: {  	[tilespmem:s14], [sflag:$0x1] =	stream.indirect_vreg.gather [hbm4b:s3+s2], $0x80, v4, vm0, $0xb8;
	[tilespmem:$0x8080] =	vst v63  }
0x3c: {  	_ = 	snop  }
0x3d: {  	[tilespmem:s15], [sflag:$0x1] =	stream.indirect_vreg.gather [hbm4b:s3+s2], $0x80, v3, vm0, $0xb8;
	[tilespmem:$0x8080] =	vst v63  }
0x3e: {  	v3 =	vld [tilespmem:$0x40];
	_ =	sdelay $0x4  }
0x3f: {  	v60 =	vshll.u32 v3, $0x1  }
0x40: {  	v3 =	vand.u32 $0x7, v3;
	v4 =	vand.u32 $0xFFFFFFF0, v60  }
0x41: {  	v3 =	vor.u32 v3, v4  }
0x42: {  	v4 =	vperm.xlane v3, v0;
	_ =	sdelay $0x1  }
0x43: {  	v3 =	vperm.xlane v3, v2;
	v4 =	vadd.s32 v1, v4;
	_ =	sdelay $0x1  }
0x44: {  	v3 =	vadd.s32 v1, v3;
	_ =	sdelay $0x2  }
0x45: {  	[tilespmem:s16], [sflag:$0x1] =	stream.indirect_vreg.gather [hbm4b:s3+s2], $0x80, v4, vm0, $0xb8;
	[tilespmem:$0x8080] =	vst v63  }
0x46: {  	_ = 	snop  }
0x47: {  	[tilespmem:s17], [sflag:$0x1] =	stream.indirect_vreg.gather [hbm4b:s3+s2], $0x80, v3, vm0, $0xb8;
	[tilespmem:$0x8080] =	vst v63  }
0x48: {  	v3 =	vld [tilespmem:$0x50];
	_ =	sdelay $0x4  }
0x49: {  	v61 =	vshll.u32 v3, $0x1  }
0x4a: {  	v3 =	vand.u32 $0x7, v3;
	v4 =	vand.u32 $0xFFFFFFF0, v61  }
0x4b: {  	v3 =	vor.u32 v3, v4  }
0x4c: {  	v4 =	vperm.xlane v3, v0;
	_ =	sdelay $0x1  }
0x4d: {  	v3 =	vperm.xlane v3, v2;
	v4 =	vadd.s32 v1, v4;
	_ =	sdelay $0x1  }
0x4e: {  	v3 =	vadd.s32 v1, v3;
	_ =	sdelay $0x2  }
0x4f: {  	[tilespmem:s18], [sflag:$0x1] =	stream.indirect_vreg.gather [hbm4b:s3+s2], $0x80, v4, vm0, $0xb8;
	[tilespmem:$0x8080] =	vst v63  }
0x50: {  	_ = 	snop  }
0x51: {  	[tilespmem:s19], [sflag:$0x1] =	stream.indirect_vreg.gather [hbm4b:s3+s2], $0x80, v3, vm0, $0xb8;
	[tilespmem:$0x8080] =	vst v63  }
0x52: {  	v3 =	vld [tilespmem:$0x60];
	_ =	sdelay $0x4  }
0x53: {  	v62 =	vshll.u32 v3, $0x1  }
0x54: {  	v3 =	vand.u32 $0x7, v3;
	v4 =	vand.u32 $0xFFFFFFF0, v62  }
0x55: {  	v3 =	vor.u32 v3, v4  }
0x56: {  	v4 =	vperm.xlane v3, v0;
	_ =	sdelay $0x1  }
0x57: {  	v3 =	vperm.xlane v3, v2;
	v4 =	vadd.s32 v1, v4;
	_ =	sdelay $0x1  }
0x58: {  	v3 =	vadd.s32 v1, v3;
	_ =	sdelay $0x2  }
0x59: {  	[tilespmem:s20], [sflag:$0x1] =	stream.indirect_vreg.gather [hbm4b:s3+s2], $0x80, v4, vm0, $0xb8;
	[tilespmem:$0x8080] =	vst v63  }
0x5a: {  	_ = 	snop  }
0x5b: {  	[tilespmem:s21], [sflag:$0x1] =	stream.indirect_vreg.gather [hbm4b:s3+s2], $0x80, v3, vm0, $0xb8;
	[tilespmem:$0x8080] =	vst v63  }
0x5c: {  	v3 =	vld [tilespmem:$0x70];
	_ =	sdelay $0x4  }
0x5d: {  	v63 =	vshll.u32 v3, $0x1  }
0x5e: {  	v3 =	vand.u32 $0x7, v3;
	v4 =	vand.u32 $0xFFFFFFF0, v63  }
0x5f: {  	v3 =	vor.u32 v3, v4  }
0x60: {  	v4 =	vperm.xlane v3, v0;
	_ =	sdelay $0x1  }
0x61: {  	v3 =	vperm.xlane v3, v2;
	v4 =	vadd.s32 v1, v4;
	_ =	sdelay $0x1  }
0x62: {  	v3 =	vadd.s32 v1, v3;
	_ =	sdelay $0x2  }
0x63: {  	[tilespmem:s22], [sflag:$0x1] =	stream.indirect_vreg.gather [hbm4b:s3+s2], $0x80, v4, vm0, $0xb8;
	[tilespmem:$0x8080] =	vst v63  }
0x64: {  	_ = 	snop  }
0x65: {  	[tilespmem:s23], [sflag:$0x1] =	stream.indirect_vreg.gather [hbm4b:s3+s2], $0x80, v3, vm0, $0xb8;
	[tilespmem:$0x8080] =	vst v63  }
0x66: {  	_ =	swait.ge [sflag:s24], $0x8000  }
0x67: {  	p0 =	sne.s32 s28, $0x110;
	[sflag:s24] =	ssyncset.done $0x0  }
.Ltmp0:
0x68: {  	[sflag:s24] =	ssyncadd.s32 $0xFFFF8000;
	(pc) =	sbr.rel @p0 .LBB2_2-.Ltmp0, $4  }
0x69: {  	[hbm4b:s26+s2] =	stream.linear.scatter [tilespmem:s8], [sflag:$0x2], $0x8000, $0x38;
	[tilespmem:$0x8080] =	vst v63  }
0x6a: {  	_ =	swait.ge [sflag:s7], $0x8000  }
0x6b: {  	[sflag:s7] =	ssyncset.done $0x0  }
0x6c: {  	s28 =	sadd.s32 $0x10, s28;
	s26 =	sadd.s32 $0x1000, s26;
	[sflag:s7] =	ssyncadd.s32 $0xFFFF8000  }
0x6d: {  	s25 =	sadd.s32 $0x1, s25  }
0x6e: {  	p0 =	sne.s32 s25, s4  }
.Ltmp1:
0x6f: {  	_ = 	snop;
	(pc) =	sbr.rel @p0 .LBB2_1-.Ltmp1, $1  }
0x70: {  	_ =	sdelay $0x3  }
0x71: {  	_ =	sfence.sel $0x180000  }
0x72: {  	[bflag:$0x0] =	sbarrier.arrive $0xFFFF  }
0x73: {  	p0 =	sne.s32 s1, $0x0;
	_ =	strace $0x90000050  }
0x74: {  	s0 =	sadd.s32 @!p0 $0x100000, s0;
	[bflag:$0x2] =	sbarrier.arrive $0xFFFF  }
0x75: {  	[sflag:s0] =	ssyncadd.tile.s32 @!p0 $0x1;
	_ =	shalt  }
.Lfunc_end2:
_tile_overlayer_lowered:
.L_overlay_start_2:
0x76: {  	(tag) =	ssettag $0x2  }
0x77: {  	s0 =	rddreg [dreg:$0x0];
	s2 =	stileid.u32  }
0x78: {  	s1 =	rddreg [dreg:$0x1];
	p0 =	sne.s32 s2, $0x0  }
0x79: {  	s3 =	rddreg [dreg:$0x2];
	[bflag:$0x3] =	sbarrier.arrive $0xFFFF;
	s2 =	simm.s32 @!p0 $0x1C02  }
0x7a: {  	[timem:s3], [sflag:s2] =	dma.local @!p0 [hbm:s0], s1  }
0x7b: {  	s0 =	simm.s32 @!p0 $0x2  }
0x7c: {  	_ =	swait.ge @!p0 [sflag:s0], s1  }
0x7d: {  	s1 =	ssub.s32 @!p0 $0x0, s1;
	[sflag:s0] =	ssyncset.done @!p0 $0x0  }
0x7e: {  	[sflag:s0] =	ssyncadd.s32 @!p0 s1  }
0x7f: {  	[bflag:$0x3] =	sbarrier.arrive $0xFFFF  }
0x80: {  	_ =	shalt  }

// kernel: kernel.18.cloned.1.call-start
scs
__scs_entry_jumppad:
0x0: {  	(pc) =	sbr.rel $0x88, $3  }
0x1: {  	(tag) =	ssettag $0x0;
	lr =	simm.s32 $0x1  }
0x2: {  	[smem:$0x3F93] =	sst lr;
	_ =	strace $0xD0000000  }
0x3: {  	_ = 	snop  }
0x4: {  	_ = 	snop  }
0x5: {  	_ = 	snop  }
0x6: {  	_ = 	snop  }
0x7: {  	_ = 	snop  }
__scs_overlays_trampoline_lowered:
0x8: {  	[smem:$0x3FA2] =	sst s0  }
0x9: {  	[smem:$0x3FA3] =	sst s1  }
0xa: {  	[smem:$0x3FA4] =	sst s2  }
0xb: {  	[smem:$0x3FA5] =	sst s3  }
0xc: {  	[smem:$0x3FA6] =	sst s4  }
0xd: {  	[smem:$0x3FA7] =	sst s5  }
0xe: {  	[smem:$0x3FA8] =	sst s6  }
0xf: {  	[smem:$0x3FA9] =	sst s7  }
0x10: {  	[smem:$0x3FAA] =	sst s8  }
0x11: {  	[smem:$0x3FAB] =	sst s9;
	s0 =	simm.s32 @!p0 $0x0  }
0x12: {  	s1 =	sld [smem:$0x3F91];
	s0 =	simm.s32 @p0 $0x1  }
0x13: {  	[smem:$0x3FAC] =	sst s0;
	s0 =	simm.s32 @!p1 $0x0  }
0x14: {  	s2 =	sld [smem:$0x3F90];
	s0 =	simm.s32 @p1 $0x1  }
0x15: {  	[smem:$0x3FAD] =	sst s0;
	s0 =	simm.s32 @!p2 $0x0  }
0x16: {  	s3 =	sld [smem:$0x3FDB];
	s0 =	simm.s32 @p2 $0x1  }
0x17: {  	s4 =	simm.s32 $0x1BF5;
	[smem:$0x3FAF] =	sst s0  }
0x18: {  	s0 =	sld [smem:$0x3F92];
	_ =	swait.ge [sflag:s4], $0x0  }
0x19: {  	s7 =	sld [smem:$0x3F93]  }
0x1a: {  	s8 =	sadd.s32 $0xFFFFE003, lr  }
0x1b: {  	s9 =	sadd.s32 $0xFFFFFEF7, lr;
	s5 =	simm.s32 $0xFFFFFFFF;
	p2 =	slt.u32 s8, $0xFFFFF086  }
0x1c: {  	p1 =	slt.u32 s9, $0xF7A;
	s5 =	simm.s32 @!p2 $0x0  }
0x1d: {  	s5 =	simm.s32 @p1 $0x1;
	p0 =	seq.s32 s7, s2  }
0x1e: {  	s7 =	smul.u32 @!p0 $0xF7A, s2;
	p2 =	seq.s32 @!p0 s5, $0x0  }
0x1f: {  	s9 =	smul.u32 $0xF7A, s1;
	s8 =	simm.s32 @!p0 $0x1BF5;
	p2 =	por !p2, p0  }
0x20: {  	[sflag:s8] =	ssyncset.s32 @!p0 $0xFFFFF086;
	s6 =	sadd.s32 @!p0 s3, s7;
	s7 =	simm.s32 @!p0 $0x108  }
0x21: {  	s3 =	sadd.s32 s3, s9;
	s6 =	sadd.s32 @!p0 $0x88, s6;
	s7 =	simm.s32 @p2 $0x1082  }
0x22: {  	[simem:s7], [sflag:s8] =	dma.local @!p0 [hbm:s6], $0xF7A  }
0x23: {  	s9 =	sor.u32 $0xD0000000, s2;
	s6 =	simm.s32 $0x108;
	_ =	swait.ge @!p0 [sflag:s8], $0x0  }
0x24: {  	s3 =	sadd.s32 $0x88, s3;
	s6 =	simm.s32 @!p1 $0x1082;
	[sflag:s4] =	ssyncset.s32 $0xFFFFF086  }
0x25: {  	[simem:s6], [sflag:s4] =	dma.local [hbm:s3], $0xF7A  }
0x26: {  	[smem:$0x3F93] =	sst s1;
	(tag) =	ssettag s2;
	_ =	strace s9  }
0x27: {  	s1 =	sld [smem:$0x3FA3]  }
0x28: {  	s2 =	sld [smem:$0x3FA4]  }
0x29: {  	s4 =	sld [smem:$0x3FA6]  }
0x2a: {  	p0 =	seq.s32 s5, $0x0;
	s5 =	sld [smem:$0x3FA7]  }
0x2b: {  	s6 =	sld [smem:$0x3FA8]  }
0x2c: {  	s7 =	sld [smem:$0x3FA9]  }
0x2d: {  	s3 =	simm.s32 $0x108;
	s8 =	sld [smem:$0x3FAA]  }
0x2e: {  	s3 =	simm.s32 @!p0 $0x1082;
	s9 =	sld [smem:$0x3FAB]  }
0x2f: {  	lr =	sadd.s32 s0, s3;
	s0 =	sld [smem:$0x3FA2]  }
0x30: {  	s3 =	sld [smem:$0x3FA5]  }
0x31: {  	[smem:$0x3FAE] =	sst s10  }
0x32: {  	s10 =	sld [smem:$0x3FAC];
	_ =	sdelay $0x3  }
0x33: {  	p0 =	seq.s32 s10, $0x1;
	s10 =	sld [smem:$0x3FAE];
	_ =	sdelay $0x3  }
0x34: {  	[smem:$0x3FAE] =	sst s10  }
0x35: {  	s10 =	sld [smem:$0x3FAD];
	_ =	sdelay $0x3  }
0x36: {  	p1 =	seq.s32 s10, $0x1;
	s10 =	sld [smem:$0x3FAE];
	_ =	sdelay $0x3  }
0x37: {  	[smem:$0x3FAE] =	sst s10  }
0x38: {  	s10 =	sld [smem:$0x3FAF]  }
0x39: {  	_ = 	snop;
	(pc) =	sbr.ind lr, $3  }
0x3a: {  	_ = 	snop  }
0x3b: {  	_ = 	snop  }
0x3c: {  	p2 =	seq.s32 s10, $0x1;
	s10 =	sld [smem:$0x3FAE]  }
0x3d: {  	_ =	shalt  }
0x3e: {  	_ =	shalt  }
0x3f: {  	_ =	shalt  }
0x40: {  	_ =	shalt  }
0x41: {  	_ =	shalt  }
0x42: {  	_ =	shalt  }
0x43: {  	_ =	shalt  }
0x44: {  	_ =	shalt  }
0x45: {  	_ =	shalt  }
0x46: {  	_ =	shalt  }
0x47: {  	_ =	shalt  }
0x48: {  	_ =	shalt  }
0x49: {  	_ =	shalt  }
0x4a: {  	_ =	shalt  }
0x4b: {  	_ =	shalt  }
0x4c: {  	_ =	shalt  }
0x4d: {  	_ =	shalt  }
0x4e: {  	_ =	shalt  }
0x4f: {  	_ =	shalt  }
0x50: {  	_ =	shalt  }
0x51: {  	_ =	shalt  }
0x52: {  	_ =	shalt  }
0x53: {  	_ =	shalt  }
0x54: {  	_ =	shalt  }
0x55: {  	_ =	shalt  }
0x56: {  	_ =	shalt  }
0x57: {  	_ =	shalt  }
0x58: {  	_ =	shalt  }
0x59: {  	_ =	shalt  }
0x5a: {  	_ =	shalt  }
0x5b: {  	_ =	shalt  }
0x5c: {  	_ =	shalt  }
0x5d: {  	_ =	shalt  }
0x5e: {  	_ =	shalt  }
0x5f: {  	_ =	shalt  }
0x60: {  	_ =	shalt  }
0x61: {  	_ =	shalt  }
0x62: {  	_ =	shalt  }
0x63: {  	_ =	shalt  }
0x64: {  	_ =	shalt  }
0x65: {  	_ =	shalt  }
0x66: {  	_ =	shalt  }
0x67: {  	_ =	shalt  }
0x68: {  	_ =	shalt  }
0x69: {  	_ =	shalt  }
0x6a: {  	_ =	shalt  }
0x6b: {  	_ =	shalt  }
0x6c: {  	_ =	shalt  }
0x6d: {  	_ =	shalt  }
0x6e: {  	_ =	shalt  }
0x6f: {  	_ =	shalt  }
0x70: {  	_ =	shalt  }
0x71: {  	_ =	shalt  }
0x72: {  	_ =	shalt  }
0x73: {  	_ =	shalt  }
0x74: {  	_ =	shalt  }
0x75: {  	_ =	shalt  }
0x76: {  	_ =	shalt  }
0x77: {  	_ =	shalt  }
0x78: {  	_ =	shalt  }
0x79: {  	_ =	shalt  }
0x7a: {  	_ =	shalt  }
0x7b: {  	_ =	shalt  }
0x7c: {  	_ =	shalt  }
0x7d: {  	_ =	shalt  }
0x7e: {  	_ =	shalt  }
0x7f: {  	_ =	shalt  }
0x80: {  	_ =	shalt  }
0x81: {  	_ =	shalt  }
0x82: {  	_ =	shalt  }
0x83: {  	_ =	shalt  }
0x84: {  	_ =	shalt  }
0x85: {  	_ =	shalt  }
0x86: {  	_ =	shalt  }
0x87: {  	_ =	shalt  }
.Lfunc_end0:
.L_simem_size_0:
called_computation.1_lowered:
.L_overlay_start_0:
0x88: {  	s2 =	sld [smem:$0x3FD9]  }
0x89: {  	s3 =	sld [smem:$0x3FFE];
	_ =	sdelay $0x1  }
0x8a: {  	s1 =	srdreg.scid  }
0x8b: {  	s0 =	sand.u32 $0x1, s1  }
0x8c: {  	s17 =	sshll.u32 s0, $0xA;
	s2 =	sadd.s32 s3, s2  }
0x8d: {  	s2 =	sadd.s32 s2, s17  }
0x8e: {  	[smem:$0x3FBA] =	sst s2  }
0x8f: {  	_ = 	snop  }
0x90: {  	(tm) =	ssettm $0x1  }
0x91: {  	s18 =	sld [smem:$0x3FFB];
	_ =	sdelay $0x3  }
0x92: {  	_ =	strace s18  }
0x93: {  	s2 =	sld [smem:$0x3FFC];
	_ =	sdelay $0x3  }
0x94: {  	_ =	strace s2  }
0x95: {  	s2 =	sld [smem:$0x3FFD];
	_ =	sdelay $0x3  }
0x96: {  	_ =	strace s2  }
0x97: {  	_ =	strace $0x8FFFFFFF  }
0x98: {  	s19 =	sld [smem:$0x3FDB];
	_ =	sdelay $0x1  }
0x99: {  	s20 =	simm.s32 $_scs_section_size  }
0x9a: {  	s4 =	simm.s32 $_size__tile_overlayer_lowered;
	s5 =	simm.s32 $_tile_overlayer_lowered  }
0x9b: {  	s6 =	simm.s32 $0x1BFF;
	s21 =	sshll.u32 s5, $0x1;
	s3 =	sadd.s32 s20, s19  }
0x9c: {  	s22 =	simm.s32 $0x0;
	s4 =	sshll.u32 s4, $0x1;
	s5 =	sadd.s32 s21, s3  }
0x9d: {  	[timem:s22], [sflag:s6] =	dma.local [hbm:s5], s4  }
0x9e: {  	_ =	swait.ge [sflag:s6], s4  }
0x9f: {  	s4 =	ssub.s32 $0x0, s4;
	[sflag:s6] =	ssyncset.done $0x0  }
0xa0: {  	[sflag:s6] =	ssyncadd.s32 s4;
	_ =	sdelay $0x1  }
0xa1: {  	s23 =	simm.s32 $0x1B8B  }
0xa2: {  	_ =	swait.ge [sflag:s23], $0x1  }
0xa3: {  	[sflag:s23] =	ssyncset.done $0x0  }
0xa4: {  	[sflag:s23] =	ssyncadd.s32 $0xFFFFFFFF  }
0xa5: {  	s4 =	sld [smem:$0x0]  }
0xa6: {  	s5 =	sand.u32 $0xFFFFFFFE, s1  }
0xa7: {  	p0 =	sne.s32 s1, s5  }
0xa8: {  	s5 =	sshll.u32 @p0 s5, $0xE  }
0xa9: {  	s5 =	sadd.s32 @p0 $0x11B8D, s5;
	s6 =	sshll.u32 @p0 s4, $0x11  }
0xaa: {  	s5 =	sor.u32 @p0 s6, s5  }
0xab: {  	[sflag:s5] =	ssyncadd.remote.s32 @p0 $0x1;
	_ =	sdelay $0x1  }
0xac: {  	s5 =	simm.s32 @p0 $0x1B8D  }
0xad: {  	_ =	swait.eq @p0 [sflag:s5], $0x1  }
0xae: {  	[sflag:s5] =	ssyncadd.s32 @p0 $0xFFFFFFFF  }
0xaf: {  	s6 =	sshll.u32 @!p0 s1, $0xE  }
0xb0: {  	s6 =	sor.u32 @!p0 $0x4000, s6;
	s5 =	simm.s32 @!p0 $0x1B8D  }
0xb1: {  	s4 =	sshll.u32 @!p0 s4, $0x11;
	s6 =	sadd.s32 @!p0 $0x11B8D, s6;
	_ =	swait.eq @!p0 [sflag:s5], $0x1  }
0xb2: {  	s4 =	sor.u32 @!p0 s4, s6;
	[sflag:s5] =	ssyncadd.s32 @!p0 $0xFFFFFFFF  }
0xb3: {  	s25 =	simm.s32 $0x1B8E;
	s24 =	sld [smem:$0x3FFE];
	[sflag:s4] =	ssyncadd.remote.s32 @!p0 $0x1  }
0xb4: {  	s26 =	simm.s32 $execute0_lowered;
	[smem:$0x3FD2] =	sst s25  }
0xb5: {  	s5 =	sshll.u32 s26, $0x1;
	_ =	strace $0x8000004C;
	[dreg:$0x1] =	wrdreg $0xFFFFFFFF  }
0xb6: {  	s28 =	simm.s32 $_size_execute0_lowered;
	s3 =	sadd.s32 s3, s5;
	[dreg:$0x0] =	wrdreg $0x0  }
0xb7: {  	s5 =	sshll.u32 s28, $0x1;
	[dreg:$0x2] =	wrdreg s3  }
0xb8: {  	[dreg:$0x3] =	wrdreg s5  }
0xb9: {  	[dreg:$0x4] =	wrdreg $0xC0  }
0xba: {  	_ =	task [dreg:s22], $0x5FFFF  }
0xbb: {  	[dreg:$0x1] =	wrdreg $0xFFFFFFFF  }
0xbc: {  	[dreg:$0x0] =	wrdreg $0x60  }
0xbd: {  	[dreg:$0x2] =	wrdreg s24  }
0xbe: {  	[dreg:$0x3] =	wrdreg $0xA  }
0xbf: {  	_ =	task.clear_ibuf [dreg:s22], $0x4FFFF;
	_ =	strace $0x9000004C  }
0xc0: {  	s29 =	simm.s32 $0xA;
	_ =	strace $0x8000004E  }
0xc1: {  	_ =	swait.ge [sflag:s29], $0x1  }
0xc2: {  	[sflag:s29] =	ssyncadd.s32 $0xFFFFFFFF  }
0xc3: {  	_ =	strace $0x9000004E  }
0xc4: {  	_ =	sfence  }
0xc5: {  	s30 =	sld [smem:$0x0];
	_ =	sdelay $0x2  }
0xc6: {  	s31 =	sshll.u32 s1, $0xD;
	s1 =	sshrl.u32 s1, $0x2  }
0xc7: {  	s4 =	sand.u32 $0x4000, s31;
	s1 =	sadd.s32 s1, s30  }
0xc8: {  	s0 =	sor.u32 s4, s0;
	s1 =	sshll.u32 s1, $0x11  }
0xc9: {  	s0 =	sor.u32 s1, s0  }
0xca: {  	s0 =	sadd.s32 $0x8F2B, s0  }
0xcb: {  	[sflag:s0] =	ssyncadd.remote.s32 $0x1  }
0xcc: {  	_ =	sfence.sel $0xFFFF  }
0xcd: {  	[dreg:$0x0] =	wrdreg $0xFFFFFFFF;
	(pc) =	sbr.abs _section_cstart, $3  }
0xce: {  	[dreg:$0x1] =	wrdreg $0xFFFFFFFF  }
0xcf: {  	_ =	task.clear_ibuf [dreg:s22], $0x2FFFF;
	_ =	strace $0x9FFFFFFF  }
0xd0: {  	(tm) =	ssettm $0x7FFFFFFF  }
0xd1: {  	_ =	shalt  }
tec
execute0_lowered:
.L_overlay_start_1:
0x0: {  	(tag) =	ssettag $0x1  }
0x1: {  	s4 =	rddreg [dreg:$0x0]  }
0x2: {  	s0 =	rddreg [dreg:$0x1];
	s2 =	simm.s32 $0x0;
	s3 =	srdreg.scid  }
0x3: {  	s1 =	stileid.u32;
	s10 =	simm.s32 $0x1080;
	s11 =	simm.s32 $0x1880  }
0x4: {  	s12 =	simm.s32 $0x2080;
	s13 =	simm.s32 $0x2880;
	s14 =	simm.s32 $0x3080  }
0x5: {  	s15 =	simm.s32 $0x3880;
	s16 =	simm.s32 $0x4080;
	s17 =	simm.s32 $0x4880  }
0x6: {  	s18 =	simm.s32 $0x5080;
	s19 =	simm.s32 $0x5880;
	s20 =	simm.s32 $0x6080  }
0x7: {  	s21 =	simm.s32 $0x6880;
	s22 =	simm.s32 $0x7080;
	s23 =	simm.s32 $0x7880  }
0x8: {  	s24 =	simm.s32 $0x1;
	s25 =	simm.s32 $0x0;
	s6 =	smul.u32 $0x1200, s1  }
0x9: {  	[smem:$0x7FF] =	sst s2;
	s5 =	sand.u32 $0x1, s3;
	s8 =	smul.u32 $0x24000, s1  }
0xa: {  	s3 =	sadd.s32 $0x13E00, s4;
	s7 =	smul.u32 $0x900, s5;
	s9 =	ssub.s32 $0x2, s5  }
0xb: {  	_ =	strace $0x8000004D;
	s5 =	smul.u32 $0x12000, s5;
	s31 =	sshrl.u32 s9, $0x1  }
0xc: {  	s8 =	sadd.s32 s8, s4;
	s6 =	sadd.s32 s7, s6;
	s7 =	ssub.s32 s9, s31  }
0xd: {  	v2 =	vlaneseq.u32;
	s5 =	sadd.s32 s5, s8;
	s8 =	simm.s32 $0x80;
	s6 =	sshrl.u32 s6, $0x3  }
0xe: {  	vm0 =	vmmov $0xffff;
	v1 =	vshrl.u32 v2, $0x3;
	s9 =	simm.s32 $0x880;
	s5 =	sadd.s32 $0x516200, s5;
	s6 =	sadd.s32 s6, s4  }
0xf: {  	v0 =	vand.u32 $0x7, v2;
	v2 =	vor.u32 $0x8, v2;
	v1 =	vmul.u32 $0x8, v1;
	s4 =	smax.u32 s7, $0x1;
	s7 =	simm.s32 $0x2;
	s6 =	sadd.s32 $0x3E00, s6  }
.LBB2_1:
0x10: {  	s26 =	smov.u32 s5;
	s28 =	simm.s32 $0x0  }
.LBB2_2:
0x11: {  	s29 =	sadd.s32 s28, s6  }
0x12: {  	[tilespmem:s2], [sflag:$0x2] =	stream.linear.gather [hbm4b:s29+s2], $0x80, $0x38;
	[tilespmem:$0x8080] =	vst v63  }
0x13: {  	_ =	swait.ge [sflag:s7], $0x80  }
0x14: {  	[sflag:s7] =	ssyncset.done $0x0  }
0x15: {  	[sflag:s7] =	ssyncadd.s32 $0xFFFFFF80  }
0x16: {  	v3 =	vld [tilespmem:$0x0];
	_ =	sdelay $0x4  }
0x17: {  	v4 =	vshll.u32 v3, $0x1  }
0x18: {  	v3 =	vand.u32 $0x7, v3;
	v4 =	vand.u32 $0xFFFFFFF0, v4  }
0x19: {  	v3 =	vor.u32 v3, v4  }
0x1a: {  	v4 =	vperm.xlane v3, v0;
	_ =	sdelay $0x1  }
0x1b: {  	v3 =	vperm.xlane v3, v2;
	v4 =	vadd.s32 v1, v4;
	_ =	sdelay $0x1  }
0x1c: {  	v3 =	vadd.s32 v1, v3;
	_ =	sdelay $0x2  }
0x1d: {  	[tilespmem:s8], [sflag:$0x1] =	stream.indirect_vreg.gather [hbm4b:s3+s2], $0x80, v4, vm0, $0xb8;
	[tilespmem:$0x8080] =	vst v63  }
0x1e: {  	_ = 	snop  }
0x1f: {  	[tilespmem:s9], [sflag:$0x1] =	stream.indirect_vreg.gather [hbm4b:s3+s2], $0x80, v3, vm0, $0xb8;
	[tilespmem:$0x8080] =	vst v63  }
0x20: {  	v3 =	vld [tilespmem:$0x10];
	_ =	sdelay $0x4  }
0x21: {  	v57 =	vshll.u32 v3, $0x1  }
0x22: {  	v3 =	vand.u32 $0x7, v3;
	v4 =	vand.u32 $0xFFFFFFF0, v57  }
0x23: {  	v3 =	vor.u32 v3, v4  }
0x24: {  	v4 =	vperm.xlane v3, v0;
	_ =	sdelay $0x1  }
0x25: {  	v3 =	vperm.xlane v3, v2;
	v4 =	vadd.s32 v1, v4;
	_ =	sdelay $0x1  }
0x26: {  	v3 =	vadd.s32 v1, v3;
	_ =	sdelay $0x2  }
0x27: {  	[tilespmem:s10], [sflag:$0x1] =	stream.indirect_vreg.gather [hbm4b:s3+s2], $0x80, v4, vm0, $0xb8;
	[tilespmem:$0x8080] =	vst v63  }
0x28: {  	_ = 	snop  }
0x29: {  	[tilespmem:s11], [sflag:$0x1] =	stream.indirect_vreg.gather [hbm4b:s3+s2], $0x80, v3, vm0, $0xb8;
	[tilespmem:$0x8080] =	vst v63  }
0x2a: {  	v3 =	vld [tilespmem:$0x20];
	_ =	sdelay $0x4  }
0x2b: {  	v58 =	vshll.u32 v3, $0x1  }
0x2c: {  	v3 =	vand.u32 $0x7, v3;
	v4 =	vand.u32 $0xFFFFFFF0, v58  }
0x2d: {  	v3 =	vor.u32 v3, v4  }
0x2e: {  	v4 =	vperm.xlane v3, v0;
	_ =	sdelay $0x1  }
0x2f: {  	v3 =	vperm.xlane v3, v2;
	v4 =	vadd.s32 v1, v4;
	_ =	sdelay $0x1  }
0x30: {  	v3 =	vadd.s32 v1, v3;
	_ =	sdelay $0x2  }
0x31: {  	[tilespmem:s12], [sflag:$0x1] =	stream.indirect_vreg.gather [hbm4b:s3+s2], $0x80, v4, vm0, $0xb8;
	[tilespmem:$0x8080] =	vst v63  }
0x32: {  	_ = 	snop  }
0x33: {  	[tilespmem:s13], [sflag:$0x1] =	stream.indirect_vreg.gather [hbm4b:s3+s2], $0x80, v3, vm0, $0xb8;
	[tilespmem:$0x8080] =	vst v63  }
0x34: {  	v3 =	vld [tilespmem:$0x30];
	_ =	sdelay $0x4  }
0x35: {  	v59 =	vshll.u32 v3, $0x1  }
0x36: {  	v3 =	vand.u32 $0x7, v3;
	v4 =	vand.u32 $0xFFFFFFF0, v59  }
0x37: {  	v3 =	vor.u32 v3, v4  }
0x38: {  	v4 =	vperm.xlane v3, v0;
	_ =	sdelay $0x1  }
0x39: {  	v3 =	vperm.xlane v3, v2;
	v4 =	vadd.s32 v1, v4;
	_ =	sdelay $0x1  }
0x3a: {  	v3 =	vadd.s32 v1, v3;
	_ =	sdelay $0x2  }
0x3b: {  	[tilespmem:s14], [sflag:$0x1] =	stream.indirect_vreg.gather [hbm4b:s3+s2], $0x80, v4, vm0, $0xb8;
	[tilespmem:$0x8080] =	vst v63  }
0x3c: {  	_ = 	snop  }
0x3d: {  	[tilespmem:s15], [sflag:$0x1] =	stream.indirect_vreg.gather [hbm4b:s3+s2], $0x80, v3, vm0, $0xb8;
	[tilespmem:$0x8080] =	vst v63  }
0x3e: {  	v3 =	vld [tilespmem:$0x40];
	_ =	sdelay $0x4  }
0x3f: {  	v60 =	vshll.u32 v3, $0x1  }
0x40: {  	v3 =	vand.u32 $0x7, v3;
	v4 =	vand.u32 $0xFFFFFFF0, v60  }
0x41: {  	v3 =	vor.u32 v3, v4  }
0x42: {  	v4 =	vperm.xlane v3, v0;
	_ =	sdelay $0x1  }
0x43: {  	v3 =	vperm.xlane v3, v2;
	v4 =	vadd.s32 v1, v4;
	_ =	sdelay $0x1  }
0x44: {  	v3 =	vadd.s32 v1, v3;
	_ =	sdelay $0x2  }
0x45: {  	[tilespmem:s16], [sflag:$0x1] =	stream.indirect_vreg.gather [hbm4b:s3+s2], $0x80, v4, vm0, $0xb8;
	[tilespmem:$0x8080] =	vst v63  }
0x46: {  	_ = 	snop  }
0x47: {  	[tilespmem:s17], [sflag:$0x1] =	stream.indirect_vreg.gather [hbm4b:s3+s2], $0x80, v3, vm0, $0xb8;
	[tilespmem:$0x8080] =	vst v63  }
0x48: {  	v3 =	vld [tilespmem:$0x50];
	_ =	sdelay $0x4  }
0x49: {  	v61 =	vshll.u32 v3, $0x1  }
0x4a: {  	v3 =	vand.u32 $0x7, v3;
	v4 =	vand.u32 $0xFFFFFFF0, v61  }
0x4b: {  	v3 =	vor.u32 v3, v4  }
0x4c: {  	v4 =	vperm.xlane v3, v0;
	_ =	sdelay $0x1  }
0x4d: {  	v3 =	vperm.xlane v3, v2;
	v4 =	vadd.s32 v1, v4;
	_ =	sdelay $0x1  }
0x4e: {  	v3 =	vadd.s32 v1, v3;
	_ =	sdelay $0x2  }
0x4f: {  	[tilespmem:s18], [sflag:$0x1] =	stream.indirect_vreg.gather [hbm4b:s3+s2], $0x80, v4, vm0, $0xb8;
	[tilespmem:$0x8080] =	vst v63  }
0x50: {  	_ = 	snop  }
0x51: {  	[tilespmem:s19], [sflag:$0x1] =	stream.indirect_vreg.gather [hbm4b:s3+s2], $0x80, v3, vm0, $0xb8;
	[tilespmem:$0x8080] =	vst v63  }
0x52: {  	v3 =	vld [tilespmem:$0x60];
	_ =	sdelay $0x4  }
0x53: {  	v62 =	vshll.u32 v3, $0x1  }
0x54: {  	v3 =	vand.u32 $0x7, v3;
	v4 =	vand.u32 $0xFFFFFFF0, v62  }
0x55: {  	v3 =	vor.u32 v3, v4  }
0x56: {  	v4 =	vperm.xlane v3, v0;
	_ =	sdelay $0x1  }
0x57: {  	v3 =	vperm.xlane v3, v2;
	v4 =	vadd.s32 v1, v4;
	_ =	sdelay $0x1  }
0x58: {  	v3 =	vadd.s32 v1, v3;
	_ =	sdelay $0x2  }
0x59: {  	[tilespmem:s20], [sflag:$0x1] =	stream.indirect_vreg.gather [hbm4b:s3+s2], $0x80, v4, vm0, $0xb8;
	[tilespmem:$0x8080] =	vst v63  }
0x5a: {  	_ = 	snop  }
0x5b: {  	[tilespmem:s21], [sflag:$0x1] =	stream.indirect_vreg.gather [hbm4b:s3+s2], $0x80, v3, vm0, $0xb8;
	[tilespmem:$0x8080] =	vst v63  }
0x5c: {  	v3 =	vld [tilespmem:$0x70];
	_ =	sdelay $0x4  }
0x5d: {  	v63 =	vshll.u32 v3, $0x1  }
0x5e: {  	v3 =	vand.u32 $0x7, v3;
	v4 =	vand.u32 $0xFFFFFFF0, v63  }
0x5f: {  	v3 =	vor.u32 v3, v4  }
0x60: {  	v4 =	vperm.xlane v3, v0;
	_ =	sdelay $0x1  }
0x61: {  	v3 =	vperm.xlane v3, v2;
	v4 =	vadd.s32 v1, v4;
	_ =	sdelay $0x1  }
0x62: {  	v3 =	vadd.s32 v1, v3;
	_ =	sdelay $0x2  }
0x63: {  	[tilespmem:s22], [sflag:$0x1] =	stream.indirect_vreg.gather [hbm4b:s3+s2], $0x80, v4, vm0, $0xb8;
	[tilespmem:$0x8080] =	vst v63  }
0x64: {  	_ = 	snop  }
0x65: {  	[tilespmem:s23], [sflag:$0x1] =	stream.indirect_vreg.gather [hbm4b:s3+s2], $0x80, v3, vm0, $0xb8;
	[tilespmem:$0x8080] =	vst v63  }
0x66: {  	_ =	swait.ge [sflag:s24], $0x8000  }
0x67: {  	p0 =	sne.s32 s28, $0x110;
	[sflag:s24] =	ssyncset.done $0x0  }
.Ltmp0:
0x68: {  	[sflag:s24] =	ssyncadd.s32 $0xFFFF8000;
	(pc) =	sbr.rel @p0 .LBB2_2-.Ltmp0, $4  }
0x69: {  	[hbm4b:s26+s2] =	stream.linear.scatter [tilespmem:s8], [sflag:$0x2], $0x8000, $0x38;
	[tilespmem:$0x8080] =	vst v63  }
0x6a: {  	_ =	swait.ge [sflag:s7], $0x8000  }
0x6b: {  	[sflag:s7] =	ssyncset.done $0x0  }
0x6c: {  	s28 =	sadd.s32 $0x10, s28;
	s26 =	sadd.s32 $0x1000, s26;
	[sflag:s7] =	ssyncadd.s32 $0xFFFF8000  }
0x6d: {  	s25 =	sadd.s32 $0x1, s25  }
0x6e: {  	p0 =	sne.s32 s25, s4  }
.Ltmp1:
0x6f: {  	_ = 	snop;
	(pc) =	sbr.rel @p0 .LBB2_1-.Ltmp1, $1  }
0x70: {  	_ =	sdelay $0x3  }
0x71: {  	_ =	sfence.sel $0x180000  }
0x72: {  	[bflag:$0x0] =	sbarrier.arrive $0xFFFF  }
0x73: {  	p0 =	sne.s32 s1, $0x0;
	_ =	strace $0x9000004D  }
0x74: {  	s0 =	sadd.s32 @!p0 $0x100000, s0;
	[bflag:$0x2] =	sbarrier.arrive $0xFFFF  }
0x75: {  	[sflag:s0] =	ssyncadd.tile.s32 @!p0 $0x1;
	_ =	shalt  }
.Lfunc_end2:
_tile_overlayer_lowered:
.L_overlay_start_2:
0x76: {  	(tag) =	ssettag $0x2  }
0x77: {  	s0 =	rddreg [dreg:$0x0];
	s2 =	stileid.u32  }
0x78: {  	s1 =	rddreg [dreg:$0x1];
	p0 =	sne.s32 s2, $0x0  }
0x79: {  	s3 =	rddreg [dreg:$0x2];
	[bflag:$0x3] =	sbarrier.arrive $0xFFFF;
	s2 =	simm.s32 @!p0 $0x1C02  }
0x7a: {  	[timem:s3], [sflag:s2] =	dma.local @!p0 [hbm:s0], s1  }
0x7b: {  	s0 =	simm.s32 @!p0 $0x2  }
0x7c: {  	_ =	swait.ge @!p0 [sflag:s0], s1  }
0x7d: {  	s1 =	ssub.s32 @!p0 $0x0, s1;
	[sflag:s0] =	ssyncset.done @!p0 $0x0  }
0x7e: {  	[sflag:s0] =	ssyncadd.s32 @!p0 s1  }
0x7f: {  	[bflag:$0x3] =	sbarrier.arrive $0xFFFF  }
0x80: {  	_ =	shalt  }

// kernel: kernel.21.cloned.1.call-start
scs
__scs_entry_jumppad:
0x0: {  	(pc) =	sbr.rel $0x88, $3  }
0x1: {  	(tag) =	ssettag $0x0;
	lr =	simm.s32 $0x1  }
0x2: {  	[smem:$0x3F93] =	sst lr;
	_ =	strace $0xD0000000  }
0x3: {  	_ = 	snop  }
0x4: {  	_ = 	snop  }
0x5: {  	_ = 	snop  }
0x6: {  	_ = 	snop  }
0x7: {  	_ = 	snop  }
__scs_overlays_trampoline_lowered:
0x8: {  	[smem:$0x3FA2] =	sst s0  }
0x9: {  	[smem:$0x3FA3] =	sst s1  }
0xa: {  	[smem:$0x3FA4] =	sst s2  }
0xb: {  	[smem:$0x3FA5] =	sst s3  }
0xc: {  	[smem:$0x3FA6] =	sst s4  }
0xd: {  	[smem:$0x3FA7] =	sst s5  }
0xe: {  	[smem:$0x3FA8] =	sst s6  }
0xf: {  	[smem:$0x3FA9] =	sst s7  }
0x10: {  	[smem:$0x3FAA] =	sst s8  }
0x11: {  	[smem:$0x3FAB] =	sst s9;
	s0 =	simm.s32 @!p0 $0x0  }
0x12: {  	s1 =	sld [smem:$0x3F91];
	s0 =	simm.s32 @p0 $0x1  }
0x13: {  	[smem:$0x3FAC] =	sst s0;
	s0 =	simm.s32 @!p1 $0x0  }
0x14: {  	s2 =	sld [smem:$0x3F90];
	s0 =	simm.s32 @p1 $0x1  }
0x15: {  	[smem:$0x3FAD] =	sst s0;
	s0 =	simm.s32 @!p2 $0x0  }
0x16: {  	s3 =	sld [smem:$0x3FDB];
	s0 =	simm.s32 @p2 $0x1  }
0x17: {  	s4 =	simm.s32 $0x1BF5;
	[smem:$0x3FAF] =	sst s0  }
0x18: {  	s0 =	sld [smem:$0x3F92];
	_ =	swait.ge [sflag:s4], $0x0  }
0x19: {  	s7 =	sld [smem:$0x3F93]  }
0x1a: {  	s8 =	sadd.s32 $0xFFFFE003, lr  }
0x1b: {  	s9 =	sadd.s32 $0xFFFFFEF7, lr;
	s5 =	simm.s32 $0xFFFFFFFF;
	p2 =	slt.u32 s8, $0xFFFFF086  }
0x1c: {  	p1 =	slt.u32 s9, $0xF7A;
	s5 =	simm.s32 @!p2 $0x0  }
0x1d: {  	s5 =	simm.s32 @p1 $0x1;
	p0 =	seq.s32 s7, s2  }
0x1e: {  	s7 =	smul.u32 @!p0 $0xF7A, s2;
	p2 =	seq.s32 @!p0 s5, $0x0  }
0x1f: {  	s9 =	smul.u32 $0xF7A, s1;
	s8 =	simm.s32 @!p0 $0x1BF5;
	p2 =	por !p2, p0  }
0x20: {  	[sflag:s8] =	ssyncset.s32 @!p0 $0xFFFFF086;
	s6 =	sadd.s32 @!p0 s3, s7;
	s7 =	simm.s32 @!p0 $0x108  }
0x21: {  	s3 =	sadd.s32 s3, s9;
	s6 =	sadd.s32 @!p0 $0x88, s6;
	s7 =	simm.s32 @p2 $0x1082  }
0x22: {  	[simem:s7], [sflag:s8] =	dma.local @!p0 [hbm:s6], $0xF7A  }
0x23: {  	s9 =	sor.u32 $0xD0000000, s2;
	s6 =	simm.s32 $0x108;
	_ =	swait.ge @!p0 [sflag:s8], $0x0  }
0x24: {  	s3 =	sadd.s32 $0x88, s3;
	s6 =	simm.s32 @!p1 $0x1082;
	[sflag:s4] =	ssyncset.s32 $0xFFFFF086  }
0x25: {  	[simem:s6], [sflag:s4] =	dma.local [hbm:s3], $0xF7A  }
0x26: {  	[smem:$0x3F93] =	sst s1;
	(tag) =	ssettag s2;
	_ =	strace s9  }
0x27: {  	s1 =	sld [smem:$0x3FA3]  }
0x28: {  	s2 =	sld [smem:$0x3FA4]  }
0x29: {  	s4 =	sld [smem:$0x3FA6]  }
0x2a: {  	p0 =	seq.s32 s5, $0x0;
	s5 =	sld [smem:$0x3FA7]  }
0x2b: {  	s6 =	sld [smem:$0x3FA8]  }
0x2c: {  	s7 =	sld [smem:$0x3FA9]  }
0x2d: {  	s3 =	simm.s32 $0x108;
	s8 =	sld [smem:$0x3FAA]  }
0x2e: {  	s3 =	simm.s32 @!p0 $0x1082;
	s9 =	sld [smem:$0x3FAB]  }
0x2f: {  	lr =	sadd.s32 s0, s3;
	s0 =	sld [smem:$0x3FA2]  }
0x30: {  	s3 =	sld [smem:$0x3FA5]  }
0x31: {  	[smem:$0x3FAE] =	sst s10  }
0x32: {  	s10 =	sld [smem:$0x3FAC];
	_ =	sdelay $0x3  }
0x33: {  	p0 =	seq.s32 s10, $0x1;
	s10 =	sld [smem:$0x3FAE];
	_ =	sdelay $0x3  }
0x34: {  	[smem:$0x3FAE] =	sst s10  }
0x35: {  	s10 =	sld [smem:$0x3FAD];
	_ =	sdelay $0x3  }
0x36: {  	p1 =	seq.s32 s10, $0x1;
	s10 =	sld [smem:$0x3FAE];
	_ =	sdelay $0x3  }
0x37: {  	[smem:$0x3FAE] =	sst s10  }
0x38: {  	s10 =	sld [smem:$0x3FAF]  }
0x39: {  	_ = 	snop;
	(pc) =	sbr.ind lr, $3  }
0x3a: {  	_ = 	snop  }
0x3b: {  	_ = 	snop  }
0x3c: {  	p2 =	seq.s32 s10, $0x1;
	s10 =	sld [smem:$0x3FAE]  }
0x3d: {  	_ =	shalt  }
0x3e: {  	_ =	shalt  }
0x3f: {  	_ =	shalt  }
0x40: {  	_ =	shalt  }
0x41: {  	_ =	shalt  }
0x42: {  	_ =	shalt  }
0x43: {  	_ =	shalt  }
0x44: {  	_ =	shalt  }
0x45: {  	_ =	shalt  }
0x46: {  	_ =	shalt  }
0x47: {  	_ =	shalt  }
0x48: {  	_ =	shalt  }
0x49: {  	_ =	shalt  }
0x4a: {  	_ =	shalt  }
0x4b: {  	_ =	shalt  }
0x4c: {  	_ =	shalt  }
0x4d: {  	_ =	shalt  }
0x4e: {  	_ =	shalt  }
0x4f: {  	_ =	shalt  }
0x50: {  	_ =	shalt  }
0x51: {  	_ =	shalt  }
0x52: {  	_ =	shalt  }
0x53: {  	_ =	shalt  }
0x54: {  	_ =	shalt  }
0x55: {  	_ =	shalt  }
0x56: {  	_ =	shalt  }
0x57: {  	_ =	shalt  }
0x58: {  	_ =	shalt  }
0x59: {  	_ =	shalt  }
0x5a: {  	_ =	shalt  }
0x5b: {  	_ =	shalt  }
0x5c: {  	_ =	shalt  }
0x5d: {  	_ =	shalt  }
0x5e: {  	_ =	shalt  }
0x5f: {  	_ =	shalt  }
0x60: {  	_ =	shalt  }
0x61: {  	_ =	shalt  }
0x62: {  	_ =	shalt  }
0x63: {  	_ =	shalt  }
0x64: {  	_ =	shalt  }
0x65: {  	_ =	shalt  }
0x66: {  	_ =	shalt  }
0x67: {  	_ =	shalt  }
0x68: {  	_ =	shalt  }
0x69: {  	_ =	shalt  }
0x6a: {  	_ =	shalt  }
0x6b: {  	_ =	shalt  }
0x6c: {  	_ =	shalt  }
0x6d: {  	_ =	shalt  }
0x6e: {  	_ =	shalt  }
0x6f: {  	_ =	shalt  }
0x70: {  	_ =	shalt  }
0x71: {  	_ =	shalt  }
0x72: {  	_ =	shalt  }
0x73: {  	_ =	shalt  }
0x74: {  	_ =	shalt  }
0x75: {  	_ =	shalt  }
0x76: {  	_ =	shalt  }
0x77: {  	_ =	shalt  }
0x78: {  	_ =	shalt  }
0x79: {  	_ =	shalt  }
0x7a: {  	_ =	shalt  }
0x7b: {  	_ =	shalt  }
0x7c: {  	_ =	shalt  }
0x7d: {  	_ =	shalt  }
0x7e: {  	_ =	shalt  }
0x7f: {  	_ =	shalt  }
0x80: {  	_ =	shalt  }
0x81: {  	_ =	shalt  }
0x82: {  	_ =	shalt  }
0x83: {  	_ =	shalt  }
0x84: {  	_ =	shalt  }
0x85: {  	_ =	shalt  }
0x86: {  	_ =	shalt  }
0x87: {  	_ =	shalt  }
.Lfunc_end0:
.L_simem_size_0:
called_computation.2_lowered:
.L_overlay_start_0:
0x88: {  	s2 =	sld [smem:$0x3FD9]  }
0x89: {  	s3 =	sld [smem:$0x3FFE];
	_ =	sdelay $0x1  }
0x8a: {  	s1 =	srdreg.scid  }
0x8b: {  	s0 =	sand.u32 $0x1, s1  }
0x8c: {  	s17 =	sshll.u32 s0, $0xA;
	s2 =	sadd.s32 s3, s2  }
0x8d: {  	s2 =	sadd.s32 s2, s17  }
0x8e: {  	[smem:$0x3FBA] =	sst s2  }
0x8f: {  	_ = 	snop  }
0x90: {  	(tm) =	ssettm $0x1  }
0x91: {  	s18 =	sld [smem:$0x3FFB];
	_ =	sdelay $0x3  }
0x92: {  	_ =	strace s18  }
0x93: {  	s2 =	sld [smem:$0x3FFC];
	_ =	sdelay $0x3  }
0x94: {  	_ =	strace s2  }
0x95: {  	s2 =	sld [smem:$0x3FFD];
	_ =	sdelay $0x3  }
0x96: {  	_ =	strace s2  }
0x97: {  	_ =	strace $0x8FFFFFFF  }
0x98: {  	s19 =	sld [smem:$0x3FDB];
	_ =	sdelay $0x1  }
0x99: {  	s20 =	simm.s32 $_scs_section_size  }
0x9a: {  	s4 =	simm.s32 $_size__tile_overlayer_lowered;
	s5 =	simm.s32 $_tile_overlayer_lowered  }
0x9b: {  	s6 =	simm.s32 $0x1BFF;
	s21 =	sshll.u32 s5, $0x1;
	s3 =	sadd.s32 s20, s19  }
0x9c: {  	s22 =	simm.s32 $0x0;
	s4 =	sshll.u32 s4, $0x1;
	s5 =	sadd.s32 s21, s3  }
0x9d: {  	[timem:s22], [sflag:s6] =	dma.local [hbm:s5], s4  }
0x9e: {  	_ =	swait.ge [sflag:s6], s4  }
0x9f: {  	s4 =	ssub.s32 $0x0, s4;
	[sflag:s6] =	ssyncset.done $0x0  }
0xa0: {  	[sflag:s6] =	ssyncadd.s32 s4;
	_ =	sdelay $0x1  }
0xa1: {  	s23 =	simm.s32 $0x1B8B  }
0xa2: {  	_ =	swait.ge [sflag:s23], $0x1  }
0xa3: {  	[sflag:s23] =	ssyncset.done $0x0  }
0xa4: {  	[sflag:s23] =	ssyncadd.s32 $0xFFFFFFFF  }
0xa5: {  	s4 =	sld [smem:$0x0]  }
0xa6: {  	s5 =	sand.u32 $0xFFFFFFFE, s1  }
0xa7: {  	p0 =	sne.s32 s1, s5  }
0xa8: {  	s5 =	sshll.u32 @p0 s5, $0xE  }
0xa9: {  	s5 =	sadd.s32 @p0 $0x11B8D, s5;
	s6 =	sshll.u32 @p0 s4, $0x11  }
0xaa: {  	s5 =	sor.u32 @p0 s6, s5  }
0xab: {  	[sflag:s5] =	ssyncadd.remote.s32 @p0 $0x1;
	_ =	sdelay $0x1  }
0xac: {  	s5 =	simm.s32 @p0 $0x1B8D  }
0xad: {  	_ =	swait.eq @p0 [sflag:s5], $0x1  }
0xae: {  	[sflag:s5] =	ssyncadd.s32 @p0 $0xFFFFFFFF  }
0xaf: {  	s6 =	sshll.u32 @!p0 s1, $0xE  }
0xb0: {  	s6 =	sor.u32 @!p0 $0x4000, s6;
	s5 =	simm.s32 @!p0 $0x1B8D  }
0xb1: {  	s4 =	sshll.u32 @!p0 s4, $0x11;
	s6 =	sadd.s32 @!p0 $0x11B8D, s6;
	_ =	swait.eq @!p0 [sflag:s5], $0x1  }
0xb2: {  	s4 =	sor.u32 @!p0 s4, s6;
	[sflag:s5] =	ssyncadd.s32 @!p0 $0xFFFFFFFF  }
0xb3: {  	s25 =	simm.s32 $0x1B8E;
	s24 =	sld [smem:$0x3FFE];
	[sflag:s4] =	ssyncadd.remote.s32 @!p0 $0x1  }
0xb4: {  	s26 =	simm.s32 $execute0_lowered;
	[smem:$0x3FD2] =	sst s25  }
0xb5: {  	s5 =	sshll.u32 s26, $0x1;
	_ =	strace $0x80000049;
	[dreg:$0x1] =	wrdreg $0xFFFFFFFF  }
0xb6: {  	s28 =	simm.s32 $_size_execute0_lowered;
	s3 =	sadd.s32 s3, s5;
	[dreg:$0x0] =	wrdreg $0x0  }
0xb7: {  	s5 =	sshll.u32 s28, $0x1;
	[dreg:$0x2] =	wrdreg s3  }
0xb8: {  	[dreg:$0x3] =	wrdreg s5  }
0xb9: {  	[dreg:$0x4] =	wrdreg $0xC0  }
0xba: {  	_ =	task [dreg:s22], $0x5FFFF  }
0xbb: {  	[dreg:$0x1] =	wrdreg $0xFFFFFFFF  }
0xbc: {  	[dreg:$0x0] =	wrdreg $0x60  }
0xbd: {  	[dreg:$0x2] =	wrdreg s24  }
0xbe: {  	[dreg:$0x3] =	wrdreg $0xB  }
0xbf: {  	_ =	task.clear_ibuf [dreg:s22], $0x4FFFF;
	_ =	strace $0x90000049  }
0xc0: {  	s29 =	simm.s32 $0xB;
	_ =	strace $0x8000004B  }
0xc1: {  	_ =	swait.ge [sflag:s29], $0x1  }
0xc2: {  	[sflag:s29] =	ssyncadd.s32 $0xFFFFFFFF  }
0xc3: {  	_ =	strace $0x9000004B  }
0xc4: {  	_ =	sfence  }
0xc5: {  	s30 =	sld [smem:$0x0];
	_ =	sdelay $0x2  }
0xc6: {  	s31 =	sshll.u32 s1, $0xD;
	s1 =	sshrl.u32 s1, $0x2  }
0xc7: {  	s4 =	sand.u32 $0x4000, s31;
	s1 =	sadd.s32 s1, s30  }
0xc8: {  	s0 =	sor.u32 s4, s0;
	s1 =	sshll.u32 s1, $0x11  }
0xc9: {  	s0 =	sor.u32 s1, s0  }
0xca: {  	s0 =	sadd.s32 $0x8F2B, s0  }
0xcb: {  	[sflag:s0] =	ssyncadd.remote.s32 $0x1  }
0xcc: {  	_ =	sfence.sel $0xFFFF  }
0xcd: {  	[dreg:$0x0] =	wrdreg $0xFFFFFFFF;
	(pc) =	sbr.abs _section_cstart, $3  }
0xce: {  	[dreg:$0x1] =	wrdreg $0xFFFFFFFF  }
0xcf: {  	_ =	task.clear_ibuf [dreg:s22], $0x2FFFF;
	_ =	strace $0x9FFFFFFF  }
0xd0: {  	(tm) =	ssettm $0x7FFFFFFF  }
0xd1: {  	_ =	shalt  }
tec
execute0_lowered:
.L_overlay_start_1:
0x0: {  	(tag) =	ssettag $0x1  }
0x1: {  	s4 =	rddreg [dreg:$0x0]  }
0x2: {  	s0 =	rddreg [dreg:$0x1];
	s2 =	simm.s32 $0x0;
	s3 =	srdreg.scid  }
0x3: {  	s1 =	stileid.u32;
	s10 =	simm.s32 $0x1080;
	s11 =	simm.s32 $0x1880  }
0x4: {  	s12 =	simm.s32 $0x2080;
	s13 =	simm.s32 $0x2880;
	s14 =	simm.s32 $0x3080  }
0x5: {  	s15 =	simm.s32 $0x3880;
	s16 =	simm.s32 $0x4080;
	s17 =	simm.s32 $0x4880  }
0x6: {  	s18 =	simm.s32 $0x5080;
	s19 =	simm.s32 $0x5880;
	s20 =	simm.s32 $0x6080  }
0x7: {  	s21 =	simm.s32 $0x6880;
	s22 =	simm.s32 $0x7080;
	s23 =	simm.s32 $0x7880  }
0x8: {  	s24 =	simm.s32 $0x1;
	s25 =	simm.s32 $0x0;
	s6 =	smul.u32 $0x1200, s1  }
0x9: {  	[smem:$0x7FF] =	sst s2;
	s5 =	sand.u32 $0x1, s3;
	s8 =	smul.u32 $0x24000, s1  }
0xa: {  	s3 =	sadd.s32 $0x13E00, s4;
	s7 =	smul.u32 $0x900, s5;
	s9 =	ssub.s32 $0x2, s5  }
0xb: {  	_ =	strace $0x8000004A;
	s5 =	smul.u32 $0x12000, s5;
	s31 =	sshrl.u32 s9, $0x1  }
0xc: {  	s8 =	sadd.s32 s8, s4;
	s6 =	sadd.s32 s7, s6;
	s7 =	ssub.s32 s9, s31  }
0xd: {  	v2 =	vlaneseq.u32;
	s5 =	sadd.s32 s5, s8;
	s8 =	simm.s32 $0x80;
	s6 =	sshrl.u32 s6, $0x3  }
0xe: {  	vm0 =	vmmov $0xffff;
	v1 =	vshrl.u32 v2, $0x3;
	s9 =	simm.s32 $0x880;
	s5 =	sadd.s32 $0x2D6200, s5;
	s6 =	sadd.s32 s6, s4  }
0xf: {  	v0 =	vand.u32 $0x7, v2;
	v2 =	vor.u32 $0x8, v2;
	v1 =	vmul.u32 $0x8, v1;
	s4 =	smax.u32 s7, $0x1;
	s7 =	simm.s32 $0x2;
	s6 =	sadd.s32 $0x2D3E00, s6  }
.LBB2_1:
0x10: {  	s26 =	smov.u32 s5;
	s28 =	simm.s32 $0x0  }
.LBB2_2:
0x11: {  	s29 =	sadd.s32 s28, s6  }
0x12: {  	[tilespmem:s2], [sflag:$0x2] =	stream.linear.gather [hbm4b:s29+s2], $0x80, $0x38;
	[tilespmem:$0x8080] =	vst v63  }
0x13: {  	_ =	swait.ge [sflag:s7], $0x80  }
0x14: {  	[sflag:s7] =	ssyncset.done $0x0  }
0x15: {  	[sflag:s7] =	ssyncadd.s32 $0xFFFFFF80  }
0x16: {  	v3 =	vld [tilespmem:$0x0];
	_ =	sdelay $0x4  }
0x17: {  	v4 =	vshll.u32 v3, $0x1  }
0x18: {  	v3 =	vand.u32 $0x7, v3;
	v4 =	vand.u32 $0xFFFFFFF0, v4  }
0x19: {  	v3 =	vor.u32 v3, v4  }
0x1a: {  	v4 =	vperm.xlane v3, v0;
	_ =	sdelay $0x1  }
0x1b: {  	v3 =	vperm.xlane v3, v2;
	v4 =	vadd.s32 v1, v4;
	_ =	sdelay $0x1  }
0x1c: {  	v3 =	vadd.s32 v1, v3;
	_ =	sdelay $0x2  }
0x1d: {  	[tilespmem:s8], [sflag:$0x1] =	stream.indirect_vreg.gather [hbm4b:s3+s2], $0x80, v4, vm0, $0xb8;
	[tilespmem:$0x8080] =	vst v63  }
0x1e: {  	_ = 	snop  }
0x1f: {  	[tilespmem:s9], [sflag:$0x1] =	stream.indirect_vreg.gather [hbm4b:s3+s2], $0x80, v3, vm0, $0xb8;
	[tilespmem:$0x8080] =	vst v63  }
0x20: {  	v3 =	vld [tilespmem:$0x10];
	_ =	sdelay $0x4  }
0x21: {  	v57 =	vshll.u32 v3, $0x1  }
0x22: {  	v3 =	vand.u32 $0x7, v3;
	v4 =	vand.u32 $0xFFFFFFF0, v57  }
0x23: {  	v3 =	vor.u32 v3, v4  }
0x24: {  	v4 =	vperm.xlane v3, v0;
	_ =	sdelay $0x1  }
0x25: {  	v3 =	vperm.xlane v3, v2;
	v4 =	vadd.s32 v1, v4;
	_ =	sdelay $0x1  }
0x26: {  	v3 =	vadd.s32 v1, v3;
	_ =	sdelay $0x2  }
0x27: {  	[tilespmem:s10], [sflag:$0x1] =	stream.indirect_vreg.gather [hbm4b:s3+s2], $0x80, v4, vm0, $0xb8;
	[tilespmem:$0x8080] =	vst v63  }
0x28: {  	_ = 	snop  }
0x29: {  	[tilespmem:s11], [sflag:$0x1] =	stream.indirect_vreg.gather [hbm4b:s3+s2], $0x80, v3, vm0, $0xb8;
	[tilespmem:$0x8080] =	vst v63  }
0x2a: {  	v3 =	vld [tilespmem:$0x20];
	_ =	sdelay $0x4  }
0x2b: {  	v58 =	vshll.u32 v3, $0x1  }
0x2c: {  	v3 =	vand.u32 $0x7, v3;
	v4 =	vand.u32 $0xFFFFFFF0, v58  }
0x2d: {  	v3 =	vor.u32 v3, v4  }
0x2e: {  	v4 =	vperm.xlane v3, v0;
	_ =	sdelay $0x1  }
0x2f: {  	v3 =	vperm.xlane v3, v2;
	v4 =	vadd.s32 v1, v4;
	_ =	sdelay $0x1  }
0x30: {  	v3 =	vadd.s32 v1, v3;
	_ =	sdelay $0x2  }
0x31: {  	[tilespmem:s12], [sflag:$0x1] =	stream.indirect_vreg.gather [hbm4b:s3+s2], $0x80, v4, vm0, $0xb8;
	[tilespmem:$0x8080] =	vst v63  }
0x32: {  	_ = 	snop  }
0x33: {  	[tilespmem:s13], [sflag:$0x1] =	stream.indirect_vreg.gather [hbm4b:s3+s2], $0x80, v3, vm0, $0xb8;
	[tilespmem:$0x8080] =	vst v63  }
0x34: {  	v3 =	vld [tilespmem:$0x30];
	_ =	sdelay $0x4  }
0x35: {  	v59 =	vshll.u32 v3, $0x1  }
0x36: {  	v3 =	vand.u32 $0x7, v3;
	v4 =	vand.u32 $0xFFFFFFF0, v59  }
0x37: {  	v3 =	vor.u32 v3, v4  }
0x38: {  	v4 =	vperm.xlane v3, v0;
	_ =	sdelay $0x1  }
0x39: {  	v3 =	vperm.xlane v3, v2;
	v4 =	vadd.s32 v1, v4;
	_ =	sdelay $0x1  }
0x3a: {  	v3 =	vadd.s32 v1, v3;
	_ =	sdelay $0x2  }
0x3b: {  	[tilespmem:s14], [sflag:$0x1] =	stream.indirect_vreg.gather [hbm4b:s3+s2], $0x80, v4, vm0, $0xb8;
	[tilespmem:$0x8080] =	vst v63  }
0x3c: {  	_ = 	snop  }
0x3d: {  	[tilespmem:s15], [sflag:$0x1] =	stream.indirect_vreg.gather [hbm4b:s3+s2], $0x80, v3, vm0, $0xb8;
	[tilespmem:$0x8080] =	vst v63  }
0x3e: {  	v3 =	vld [tilespmem:$0x40];
	_ =	sdelay $0x4  }
0x3f: {  	v60 =	vshll.u32 v3, $0x1  }
0x40: {  	v3 =	vand.u32 $0x7, v3;
	v4 =	vand.u32 $0xFFFFFFF0, v60  }
0x41: {  	v3 =	vor.u32 v3, v4  }
0x42: {  	v4 =	vperm.xlane v3, v0;
	_ =	sdelay $0x1  }
0x43: {  	v3 =	vperm.xlane v3, v2;
	v4 =	vadd.s32 v1, v4;
	_ =	sdelay $0x1  }
0x44: {  	v3 =	vadd.s32 v1, v3;
	_ =	sdelay $0x2  }
0x45: {  	[tilespmem:s16], [sflag:$0x1] =	stream.indirect_vreg.gather [hbm4b:s3+s2], $0x80, v4, vm0, $0xb8;
	[tilespmem:$0x8080] =	vst v63  }
0x46: {  	_ = 	snop  }
0x47: {  	[tilespmem:s17], [sflag:$0x1] =	stream.indirect_vreg.gather [hbm4b:s3+s2], $0x80, v3, vm0, $0xb8;
	[tilespmem:$0x8080] =	vst v63  }
0x48: {  	v3 =	vld [tilespmem:$0x50];
	_ =	sdelay $0x4  }
0x49: {  	v61 =	vshll.u32 v3, $0x1  }
0x4a: {  	v3 =	vand.u32 $0x7, v3;
	v4 =	vand.u32 $0xFFFFFFF0, v61  }
0x4b: {  	v3 =	vor.u32 v3, v4  }
0x4c: {  	v4 =	vperm.xlane v3, v0;
	_ =	sdelay $0x1  }
0x4d: {  	v3 =	vperm.xlane v3, v2;
	v4 =	vadd.s32 v1, v4;
	_ =	sdelay $0x1  }
0x4e: {  	v3 =	vadd.s32 v1, v3;
	_ =	sdelay $0x2  }
0x4f: {  	[tilespmem:s18], [sflag:$0x1] =	stream.indirect_vreg.gather [hbm4b:s3+s2], $0x80, v4, vm0, $0xb8;
	[tilespmem:$0x8080] =	vst v63  }
0x50: {  	_ = 	snop  }
0x51: {  	[tilespmem:s19], [sflag:$0x1] =	stream.indirect_vreg.gather [hbm4b:s3+s2], $0x80, v3, vm0, $0xb8;
	[tilespmem:$0x8080] =	vst v63  }
0x52: {  	v3 =	vld [tilespmem:$0x60];
	_ =	sdelay $0x4  }
0x53: {  	v62 =	vshll.u32 v3, $0x1  }
0x54: {  	v3 =	vand.u32 $0x7, v3;
	v4 =	vand.u32 $0xFFFFFFF0, v62  }
0x55: {  	v3 =	vor.u32 v3, v4  }
0x56: {  	v4 =	vperm.xlane v3, v0;
	_ =	sdelay $0x1  }
0x57: {  	v3 =	vperm.xlane v3, v2;
	v4 =	vadd.s32 v1, v4;
	_ =	sdelay $0x1  }
0x58: {  	v3 =	vadd.s32 v1, v3;
	_ =	sdelay $0x2  }
0x59: {  	[tilespmem:s20], [sflag:$0x1] =	stream.indirect_vreg.gather [hbm4b:s3+s2], $0x80, v4, vm0, $0xb8;
	[tilespmem:$0x8080] =	vst v63  }
0x5a: {  	_ = 	snop  }
0x5b: {  	[tilespmem:s21], [sflag:$0x1] =	stream.indirect_vreg.gather [hbm4b:s3+s2], $0x80, v3, vm0, $0xb8;
	[tilespmem:$0x8080] =	vst v63  }
0x5c: {  	v3 =	vld [tilespmem:$0x70];
	_ =	sdelay $0x4  }
0x5d: {  	v63 =	vshll.u32 v3, $0x1  }
0x5e: {  	v3 =	vand.u32 $0x7, v3;
	v4 =	vand.u32 $0xFFFFFFF0, v63  }
0x5f: {  	v3 =	vor.u32 v3, v4  }
0x60: {  	v4 =	vperm.xlane v3, v0;
	_ =	sdelay $0x1  }
0x61: {  	v3 =	vperm.xlane v3, v2;
	v4 =	vadd.s32 v1, v4;
	_ =	sdelay $0x1  }
0x62: {  	v3 =	vadd.s32 v1, v3;
	_ =	sdelay $0x2  }
0x63: {  	[tilespmem:s22], [sflag:$0x1] =	stream.indirect_vreg.gather [hbm4b:s3+s2], $0x80, v4, vm0, $0xb8;
	[tilespmem:$0x8080] =	vst v63  }
0x64: {  	_ = 	snop  }
0x65: {  	[tilespmem:s23], [sflag:$0x1] =	stream.indirect_vreg.gather [hbm4b:s3+s2], $0x80, v3, vm0, $0xb8;
	[tilespmem:$0x8080] =	vst v63  }
0x66: {  	_ =	swait.ge [sflag:s24], $0x8000  }
0x67: {  	p0 =	sne.s32 s28, $0x110;
	[sflag:s24] =	ssyncset.done $0x0  }
.Ltmp0:
0x68: {  	[sflag:s24] =	ssyncadd.s32 $0xFFFF8000;
	(pc) =	sbr.rel @p0 .LBB2_2-.Ltmp0, $4  }
0x69: {  	[hbm4b:s26+s2] =	stream.linear.scatter [tilespmem:s8], [sflag:$0x2], $0x8000, $0x38;
	[tilespmem:$0x8080] =	vst v63  }
0x6a: {  	_ =	swait.ge [sflag:s7], $0x8000  }
0x6b: {  	[sflag:s7] =	ssyncset.done $0x0  }
0x6c: {  	s28 =	sadd.s32 $0x10, s28;
	s26 =	sadd.s32 $0x1000, s26;
	[sflag:s7] =	ssyncadd.s32 $0xFFFF8000  }
0x6d: {  	s25 =	sadd.s32 $0x1, s25  }
0x6e: {  	p0 =	sne.s32 s25, s4  }
.Ltmp1:
0x6f: {  	_ = 	snop;
	(pc) =	sbr.rel @p0 .LBB2_1-.Ltmp1, $1  }
0x70: {  	_ =	sdelay $0x3  }
0x71: {  	_ =	sfence.sel $0x180000  }
0x72: {  	[bflag:$0x0] =	sbarrier.arrive $0xFFFF  }
0x73: {  	p0 =	sne.s32 s1, $0x0;
	_ =	strace $0x9000004A  }
0x74: {  	s0 =	sadd.s32 @!p0 $0x100000, s0;
	[bflag:$0x2] =	sbarrier.arrive $0xFFFF  }
0x75: {  	[sflag:s0] =	ssyncadd.tile.s32 @!p0 $0x1;
	_ =	shalt  }
.Lfunc_end2:
_tile_overlayer_lowered:
.L_overlay_start_2:
0x76: {  	(tag) =	ssettag $0x2  }
0x77: {  	s0 =	rddreg [dreg:$0x0];
	s2 =	stileid.u32  }
0x78: {  	s1 =	rddreg [dreg:$0x1];
	p0 =	sne.s32 s2, $0x0  }
0x79: {  	s3 =	rddreg [dreg:$0x2];
	[bflag:$0x3] =	sbarrier.arrive $0xFFFF;
	s2 =	simm.s32 @!p0 $0x1C02  }
0x7a: {  	[timem:s3], [sflag:s2] =	dma.local @!p0 [hbm:s0], s1  }
0x7b: {  	s0 =	simm.s32 @!p0 $0x2  }
0x7c: {  	_ =	swait.ge @!p0 [sflag:s0], s1  }
0x7d: {  	s1 =	ssub.s32 @!p0 $0x0, s1;
	[sflag:s0] =	ssyncset.done @!p0 $0x0  }
0x7e: {  	[sflag:s0] =	ssyncadd.s32 @!p0 s1  }
0x7f: {  	[bflag:$0x3] =	sbarrier.arrive $0xFFFF  }
0x80: {  	_ =	shalt  }

// kernel: kernel.24.cloned.1.call-start
scs
__scs_entry_jumppad:
0x0: {  	(pc) =	sbr.rel $0x88, $3  }
0x1: {  	(tag) =	ssettag $0x0;
	lr =	simm.s32 $0x1  }
0x2: {  	[smem:$0x3F93] =	sst lr;
	_ =	strace $0xD0000000  }
0x3: {  	_ = 	snop  }
0x4: {  	_ = 	snop  }
0x5: {  	_ = 	snop  }
0x6: {  	_ = 	snop  }
0x7: {  	_ = 	snop  }
__scs_overlays_trampoline_lowered:
0x8: {  	[smem:$0x3FA2] =	sst s0  }
0x9: {  	[smem:$0x3FA3] =	sst s1  }
0xa: {  	[smem:$0x3FA4] =	sst s2  }
0xb: {  	[smem:$0x3FA5] =	sst s3  }
0xc: {  	[smem:$0x3FA6] =	sst s4  }
0xd: {  	[smem:$0x3FA7] =	sst s5  }
0xe: {  	[smem:$0x3FA8] =	sst s6  }
0xf: {  	[smem:$0x3FA9] =	sst s7  }
0x10: {  	[smem:$0x3FAA] =	sst s8  }
0x11: {  	[smem:$0x3FAB] =	sst s9;
	s0 =	simm.s32 @!p0 $0x0  }
0x12: {  	s1 =	sld [smem:$0x3F91];
	s0 =	simm.s32 @p0 $0x1  }
0x13: {  	[smem:$0x3FAC] =	sst s0;
	s0 =	simm.s32 @!p1 $0x0  }
0x14: {  	s2 =	sld [smem:$0x3F90];
	s0 =	simm.s32 @p1 $0x1  }
0x15: {  	[smem:$0x3FAD] =	sst s0;
	s0 =	simm.s32 @!p2 $0x0  }
0x16: {  	s3 =	sld [smem:$0x3FDB];
	s0 =	simm.s32 @p2 $0x1  }
0x17: {  	s4 =	simm.s32 $0x1BF5;
	[smem:$0x3FAF] =	sst s0  }
0x18: {  	s0 =	sld [smem:$0x3F92];
	_ =	swait.ge [sflag:s4], $0x0  }
0x19: {  	s7 =	sld [smem:$0x3F93]  }
0x1a: {  	s8 =	sadd.s32 $0xFFFFE003, lr  }
0x1b: {  	s9 =	sadd.s32 $0xFFFFFEF7, lr;
	s5 =	simm.s32 $0xFFFFFFFF;
	p2 =	slt.u32 s8, $0xFFFFF086  }
0x1c: {  	p1 =	slt.u32 s9, $0xF7A;
	s5 =	simm.s32 @!p2 $0x0  }
0x1d: {  	s5 =	simm.s32 @p1 $0x1;
	p0 =	seq.s32 s7, s2  }
0x1e: {  	s7 =	smul.u32 @!p0 $0xF7A, s2;
	p2 =	seq.s32 @!p0 s5, $0x0  }
0x1f: {  	s9 =	smul.u32 $0xF7A, s1;
	s8 =	simm.s32 @!p0 $0x1BF5;
	p2 =	por !p2, p0  }
0x20: {  	[sflag:s8] =	ssyncset.s32 @!p0 $0xFFFFF086;
	s6 =	sadd.s32 @!p0 s3, s7;
	s7 =	simm.s32 @!p0 $0x108  }
0x21: {  	s3 =	sadd.s32 s3, s9;
	s6 =	sadd.s32 @!p0 $0x88, s6;
	s7 =	simm.s32 @p2 $0x1082  }
0x22: {  	[simem:s7], [sflag:s8] =	dma.local @!p0 [hbm:s6], $0xF7A  }
0x23: {  	s9 =	sor.u32 $0xD0000000, s2;
	s6 =	simm.s32 $0x108;
	_ =	swait.ge @!p0 [sflag:s8], $0x0  }
0x24: {  	s3 =	sadd.s32 $0x88, s3;
	s6 =	simm.s32 @!p1 $0x1082;
	[sflag:s4] =	ssyncset.s32 $0xFFFFF086  }
0x25: {  	[simem:s6], [sflag:s4] =	dma.local [hbm:s3], $0xF7A  }
0x26: {  	[smem:$0x3F93] =	sst s1;
	(tag) =	ssettag s2;
	_ =	strace s9  }
0x27: {  	s1 =	sld [smem:$0x3FA3]  }
0x28: {  	s2 =	sld [smem:$0x3FA4]  }
0x29: {  	s4 =	sld [smem:$0x3FA6]  }
0x2a: {  	p0 =	seq.s32 s5, $0x0;
	s5 =	sld [smem:$0x3FA7]  }
0x2b: {  	s6 =	sld [smem:$0x3FA8]  }
0x2c: {  	s7 =	sld [smem:$0x3FA9]  }
0x2d: {  	s3 =	simm.s32 $0x108;
	s8 =	sld [smem:$0x3FAA]  }
0x2e: {  	s3 =	simm.s32 @!p0 $0x1082;
	s9 =	sld [smem:$0x3FAB]  }
0x2f: {  	lr =	sadd.s32 s0, s3;
	s0 =	sld [smem:$0x3FA2]  }
0x30: {  	s3 =	sld [smem:$0x3FA5]  }
0x31: {  	[smem:$0x3FAE] =	sst s10  }
0x32: {  	s10 =	sld [smem:$0x3FAC];
	_ =	sdelay $0x3  }
0x33: {  	p0 =	seq.s32 s10, $0x1;
	s10 =	sld [smem:$0x3FAE];
	_ =	sdelay $0x3  }
0x34: {  	[smem:$0x3FAE] =	sst s10  }
0x35: {  	s10 =	sld [smem:$0x3FAD];
	_ =	sdelay $0x3  }
0x36: {  	p1 =	seq.s32 s10, $0x1;
	s10 =	sld [smem:$0x3FAE];
	_ =	sdelay $0x3  }
0x37: {  	[smem:$0x3FAE] =	sst s10  }
0x38: {  	s10 =	sld [smem:$0x3FAF]  }
0x39: {  	_ = 	snop;
	(pc) =	sbr.ind lr, $3  }
0x3a: {  	_ = 	snop  }
0x3b: {  	_ = 	snop  }
0x3c: {  	p2 =	seq.s32 s10, $0x1;
	s10 =	sld [smem:$0x3FAE]  }
0x3d: {  	_ =	shalt  }
0x3e: {  	_ =	shalt  }
0x3f: {  	_ =	shalt  }
0x40: {  	_ =	shalt  }
0x41: {  	_ =	shalt  }
0x42: {  	_ =	shalt  }
0x43: {  	_ =	shalt  }
0x44: {  	_ =	shalt  }
0x45: {  	_ =	shalt  }
0x46: {  	_ =	shalt  }
0x47: {  	_ =	shalt  }
0x48: {  	_ =	shalt  }
0x49: {  	_ =	shalt  }
0x4a: {  	_ =	shalt  }
0x4b: {  	_ =	shalt  }
0x4c: {  	_ =	shalt  }
0x4d: {  	_ =	shalt  }
0x4e: {  	_ =	shalt  }
0x4f: {  	_ =	shalt  }
0x50: {  	_ =	shalt  }
0x51: {  	_ =	shalt  }
0x52: {  	_ =	shalt  }
0x53: {  	_ =	shalt  }
0x54: {  	_ =	shalt  }
0x55: {  	_ =	shalt  }
0x56: {  	_ =	shalt  }
0x57: {  	_ =	shalt  }
0x58: {  	_ =	shalt  }
0x59: {  	_ =	shalt  }
0x5a: {  	_ =	shalt  }
0x5b: {  	_ =	shalt  }
0x5c: {  	_ =	shalt  }
0x5d: {  	_ =	shalt  }
0x5e: {  	_ =	shalt  }
0x5f: {  	_ =	shalt  }
0x60: {  	_ =	shalt  }
0x61: {  	_ =	shalt  }
0x62: {  	_ =	shalt  }
0x63: {  	_ =	shalt  }
0x64: {  	_ =	shalt  }
0x65: {  	_ =	shalt  }
0x66: {  	_ =	shalt  }
0x67: {  	_ =	shalt  }
0x68: {  	_ =	shalt  }
0x69: {  	_ =	shalt  }
0x6a: {  	_ =	shalt  }
0x6b: {  	_ =	shalt  }
0x6c: {  	_ =	shalt  }
0x6d: {  	_ =	shalt  }
0x6e: {  	_ =	shalt  }
0x6f: {  	_ =	shalt  }
0x70: {  	_ =	shalt  }
0x71: {  	_ =	shalt  }
0x72: {  	_ =	shalt  }
0x73: {  	_ =	shalt  }
0x74: {  	_ =	shalt  }
0x75: {  	_ =	shalt  }
0x76: {  	_ =	shalt  }
0x77: {  	_ =	shalt  }
0x78: {  	_ =	shalt  }
0x79: {  	_ =	shalt  }
0x7a: {  	_ =	shalt  }
0x7b: {  	_ =	shalt  }
0x7c: {  	_ =	shalt  }
0x7d: {  	_ =	shalt  }
0x7e: {  	_ =	shalt  }
0x7f: {  	_ =	shalt  }
0x80: {  	_ =	shalt  }
0x81: {  	_ =	shalt  }
0x82: {  	_ =	shalt  }
0x83: {  	_ =	shalt  }
0x84: {  	_ =	shalt  }
0x85: {  	_ =	shalt  }
0x86: {  	_ =	shalt  }
0x87: {  	_ =	shalt  }
.Lfunc_end0:
.L_simem_size_0:
called_computation.3_lowered:
.L_overlay_start_0:
0x88: {  	s2 =	sld [smem:$0x3FD9]  }
0x89: {  	s3 =	sld [smem:$0x3FFE];
	_ =	sdelay $0x1  }
0x8a: {  	s1 =	srdreg.scid  }
0x8b: {  	s0 =	sand.u32 $0x1, s1  }
0x8c: {  	s17 =	sshll.u32 s0, $0xA;
	s2 =	sadd.s32 s3, s2  }
0x8d: {  	s2 =	sadd.s32 s2, s17  }
0x8e: {  	[smem:$0x3FBA] =	sst s2  }
0x8f: {  	_ = 	snop  }
0x90: {  	s2 =	sld [smem:$0x3FD0];
	(tm) =	ssettm $0x1  }
0x91: {  	s18 =	sld [smem:$0x3FFB];
	_ =	sdelay $0x3  }
0x92: {  	_ =	strace s18  }
0x93: {  	s3 =	sld [smem:$0x3FFC];
	_ =	sdelay $0x3  }
0x94: {  	_ =	strace s3  }
0x95: {  	s3 =	sld [smem:$0x3FFD];
	_ =	sdelay $0x3  }
0x96: {  	_ =	strace s3  }
0x97: {  	_ =	strace $0x8FFFFFFF  }
0x98: {  	s19 =	sld [smem:$0x3FDB];
	_ =	sdelay $0x1  }
0x99: {  	s4 =	simm.s32 $_scs_section_size  }
0x9a: {  	s5 =	simm.s32 $_size__tile_overlayer_lowered;
	s6 =	simm.s32 $_tile_overlayer_lowered  }
0x9b: {  	s22 =	simm.s32 $0x1BFF;
	s21 =	sshll.u32 s6, $0x1;
	s3 =	sadd.s32 s4, s19  }
0x9c: {  	s7 =	simm.s32 $0x0;
	s20 =	sshll.u32 s5, $0x1;
	s5 =	sadd.s32 s21, s3  }
0x9d: {  	[timem:s7], [sflag:s22] =	dma.local [hbm:s5], s20  }
0x9e: {  	_ =	swait.ge [sflag:s22], s20  }
0x9f: {  	s4 =	ssub.s32 $0x0, s20;
	[sflag:s22] =	ssyncset.done $0x0  }
0xa0: {  	[sflag:s22] =	ssyncadd.s32 s4;
	_ =	sdelay $0x1  }
0xa1: {  	s23 =	simm.s32 $0x1B8B  }
0xa2: {  	_ =	swait.ge [sflag:s23], $0x1  }
0xa3: {  	[sflag:s23] =	ssyncset.done $0x0  }
0xa4: {  	s25 =	simm.s32 $0x1B8E;
	s24 =	sld [smem:$0x3FFE];
	[sflag:s23] =	ssyncadd.s32 $0xFFFFFFFF  }
0xa5: {  	s26 =	simm.s32 $execute0_lowered;
	[smem:$0x3FD2] =	sst s25  }
0xa6: {  	s5 =	sshll.u32 s26, $0x1;
	_ =	strace $0x80000046;
	[dreg:$0x1] =	wrdreg $0xFFFFFFFF  }
0xa7: {  	s28 =	simm.s32 $_size_execute0_lowered;
	s3 =	sadd.s32 s3, s5;
	[dreg:$0x0] =	wrdreg $0x0  }
0xa8: {  	s5 =	sshll.u32 s28, $0x1;
	[dreg:$0x2] =	wrdreg s3  }
0xa9: {  	[dreg:$0x3] =	wrdreg s5  }
0xaa: {  	[dreg:$0x4] =	wrdreg $0xC0  }
0xab: {  	_ =	task [dreg:s7], $0x5FFFF  }
0xac: {  	[dreg:$0x1] =	wrdreg $0xFFFFFFFF  }
0xad: {  	[dreg:$0x0] =	wrdreg $0x60  }
0xae: {  	[dreg:$0x2] =	wrdreg s24  }
0xaf: {  	[dreg:$0x3] =	wrdreg s2  }
0xb0: {  	[dreg:$0x4] =	wrdreg $0xC  }
0xb1: {  	_ =	task.clear_ibuf [dreg:s7], $0x5FFFF;
	_ =	strace $0x90000046  }
0xb2: {  	s29 =	simm.s32 $0xC;
	_ =	strace $0x80000048  }
0xb3: {  	_ =	swait.ge [sflag:s29], $0x1  }
0xb4: {  	[sflag:s29] =	ssyncadd.s32 $0xFFFFFFFF  }
0xb5: {  	_ =	strace $0x90000048  }
0xb6: {  	_ =	sfence  }
0xb7: {  	s30 =	sld [smem:$0x0];
	_ =	sdelay $0x2  }
0xb8: {  	s31 =	sshll.u32 s1, $0xD;
	s1 =	sshrl.u32 s1, $0x2  }
0xb9: {  	s3 =	sand.u32 $0x4000, s31;
	s1 =	sadd.s32 s1, s30  }
0xba: {  	s0 =	sor.u32 s3, s0;
	s1 =	sshll.u32 s1, $0x11  }
0xbb: {  	s0 =	sor.u32 s1, s0  }
0xbc: {  	s0 =	sadd.s32 $0x8F2B, s0  }
0xbd: {  	[sflag:s0] =	ssyncadd.remote.s32 $0x1  }
0xbe: {  	_ =	sfence.sel $0xFFFF  }
0xbf: {  	[dreg:$0x0] =	wrdreg $0xFFFFFFFF;
	(pc) =	sbr.abs _section_cstart, $3  }
0xc0: {  	[dreg:$0x1] =	wrdreg $0xFFFFFFFF  }
0xc1: {  	_ =	task.clear_ibuf [dreg:s7], $0x2FFFF;
	_ =	strace $0x9FFFFFFF  }
0xc2: {  	(tm) =	ssettm $0x7FFFFFFF  }
0xc3: {  	_ =	shalt  }
tec
execute0_lowered:
.L_overlay_start_1:
0x0: {  	(tag) =	ssettag $0x1  }
0x1: {  	s4 =	rddreg [dreg:$0x0]  }
0x2: {  	s6 =	rddreg [dreg:$0x1]  }
0x3: {  	s0 =	rddreg [dreg:$0x2];
	s1 =	stileid.u32  }
0x4: {  	s2 =	simm.s32 $0x0;
	s3 =	srdreg.scid;
	s12 =	simm.s32 $0x2080  }
0x5: {  	s13 =	simm.s32 $0x2880;
	s14 =	simm.s32 $0x3080;
	s15 =	simm.s32 $0x3880  }
0x6: {  	s16 =	simm.s32 $0x4080;
	s17 =	simm.s32 $0x4880;
	s18 =	simm.s32 $0x5080  }
0x7: {  	s19 =	simm.s32 $0x5880;
	s20 =	simm.s32 $0x6080;
	s21 =	simm.s32 $0x6880  }
0x8: {  	s22 =	simm.s32 $0x7080;
	s23 =	simm.s32 $0x7880;
	s5 =	smul.u32 $0x24000, s1  }
0x9: {  	s24 =	simm.s32 $0x1;
	s7 =	sand.u32 $0x1, s3;
	s8 =	smul.u32 $0x1200, s1  }
0xa: {  	s25 =	simm.s32 $0x0;
	[smem:$0x7FF] =	sst s2;
	s10 =	smul.u32 $0x900, s7  }
0xb: {  	s3 =	sadd.s32 $0x13E00, s4;
	s9 =	ssub.s32 $0x2, s7;
	s7 =	smul.u32 $0x12000, s7  }
0xc: {  	_ =	strace $0x80000047;
	s11 =	sshrl.u32 s9, $0x1;
	s5 =	sadd.s32 s5, s4  }
0xd: {  	s30 =	ssub.s32 s9, s11;
	s8 =	sadd.s32 s10, s8;
	s5 =	sadd.s32 s7, s5  }
0xe: {  	v2 =	vlaneseq.u32;
	s7 =	simm.s32 $0x2;
	s9 =	simm.s32 $0x880;
	s10 =	simm.s32 $0x1080  }
0xf: {  	vm0 =	vmmov $0xffff;
	v1 =	vshrl.u32 v2, $0x3;
	s11 =	simm.s32 $0x1880;
	s4 =	smax.u32 s30, $0x1;
	s31 =	sshrl.u32 s8, $0x3  }
0x10: {  	v0 =	vand.u32 $0x7, v2;
	v2 =	vor.u32 $0x8, v2;
	v1 =	vmul.u32 $0x8, v1;
	s5 =	sadd.s32 $0x93E00, s5;
	s8 =	simm.s32 $0x80;
	s6 =	sadd.s32 s31, s6  }
.LBB2_1:
0x11: {  	s26 =	smov.u32 s5;
	s28 =	simm.s32 $0x0  }
.LBB2_2:
0x12: {  	s29 =	sadd.s32 s28, s6  }
0x13: {  	[tilespmem:s2], [sflag:$0x2] =	stream.linear.gather [hbm4b:s29+s2], $0x80, $0x38;
	[tilespmem:$0x8080] =	vst v63  }
0x14: {  	_ =	swait.ge [sflag:s7], $0x80  }
0x15: {  	[sflag:s7] =	ssyncset.done $0x0  }
0x16: {  	[sflag:s7] =	ssyncadd.s32 $0xFFFFFF80  }
0x17: {  	v3 =	vld [tilespmem:$0x0];
	_ =	sdelay $0x4  }
0x18: {  	v4 =	vshll.u32 v3, $0x1  }
0x19: {  	v3 =	vand.u32 $0x7, v3;
	v4 =	vand.u32 $0xFFFFFFF0, v4  }
0x1a: {  	v3 =	vor.u32 v3, v4  }
0x1b: {  	v4 =	vperm.xlane v3, v0;
	_ =	sdelay $0x1  }
0x1c: {  	v3 =	vperm.xlane v3, v2;
	v4 =	vadd.s32 v1, v4;
	_ =	sdelay $0x1  }
0x1d: {  	v3 =	vadd.s32 v1, v3;
	_ =	sdelay $0x2  }
0x1e: {  	[tilespmem:s8], [sflag:$0x1] =	stream.indirect_vreg.gather [hbm4b:s3+s2], $0x80, v4, vm0, $0xb8;
	[tilespmem:$0x8080] =	vst v63  }
0x1f: {  	_ = 	snop  }
0x20: {  	[tilespmem:s9], [sflag:$0x1] =	stream.indirect_vreg.gather [hbm4b:s3+s2], $0x80, v3, vm0, $0xb8;
	[tilespmem:$0x8080] =	vst v63  }
0x21: {  	v3 =	vld [tilespmem:$0x10];
	_ =	sdelay $0x4  }
0x22: {  	v57 =	vshll.u32 v3, $0x1  }
0x23: {  	v3 =	vand.u32 $0x7, v3;
	v4 =	vand.u32 $0xFFFFFFF0, v57  }
0x24: {  	v3 =	vor.u32 v3, v4  }
0x25: {  	v4 =	vperm.xlane v3, v0;
	_ =	sdelay $0x1  }
0x26: {  	v3 =	vperm.xlane v3, v2;
	v4 =	vadd.s32 v1, v4;
	_ =	sdelay $0x1  }
0x27: {  	v3 =	vadd.s32 v1, v3;
	_ =	sdelay $0x2  }
0x28: {  	[tilespmem:s10], [sflag:$0x1] =	stream.indirect_vreg.gather [hbm4b:s3+s2], $0x80, v4, vm0, $0xb8;
	[tilespmem:$0x8080] =	vst v63  }
0x29: {  	_ = 	snop  }
0x2a: {  	[tilespmem:s11], [sflag:$0x1] =	stream.indirect_vreg.gather [hbm4b:s3+s2], $0x80, v3, vm0, $0xb8;
	[tilespmem:$0x8080] =	vst v63  }
0x2b: {  	v3 =	vld [tilespmem:$0x20];
	_ =	sdelay $0x4  }
0x2c: {  	v58 =	vshll.u32 v3, $0x1  }
0x2d: {  	v3 =	vand.u32 $0x7, v3;
	v4 =	vand.u32 $0xFFFFFFF0, v58  }
0x2e: {  	v3 =	vor.u32 v3, v4  }
0x2f: {  	v4 =	vperm.xlane v3, v0;
	_ =	sdelay $0x1  }
0x30: {  	v3 =	vperm.xlane v3, v2;
	v4 =	vadd.s32 v1, v4;
	_ =	sdelay $0x1  }
0x31: {  	v3 =	vadd.s32 v1, v3;
	_ =	sdelay $0x2  }
0x32: {  	[tilespmem:s12], [sflag:$0x1] =	stream.indirect_vreg.gather [hbm4b:s3+s2], $0x80, v4, vm0, $0xb8;
	[tilespmem:$0x8080] =	vst v63  }
0x33: {  	_ = 	snop  }
0x34: {  	[tilespmem:s13], [sflag:$0x1] =	stream.indirect_vreg.gather [hbm4b:s3+s2], $0x80, v3, vm0, $0xb8;
	[tilespmem:$0x8080] =	vst v63  }
0x35: {  	v3 =	vld [tilespmem:$0x30];
	_ =	sdelay $0x4  }
0x36: {  	v59 =	vshll.u32 v3, $0x1  }
0x37: {  	v3 =	vand.u32 $0x7, v3;
	v4 =	vand.u32 $0xFFFFFFF0, v59  }
0x38: {  	v3 =	vor.u32 v3, v4  }
0x39: {  	v4 =	vperm.xlane v3, v0;
	_ =	sdelay $0x1  }
0x3a: {  	v3 =	vperm.xlane v3, v2;
	v4 =	vadd.s32 v1, v4;
	_ =	sdelay $0x1  }
0x3b: {  	v3 =	vadd.s32 v1, v3;
	_ =	sdelay $0x2  }
0x3c: {  	[tilespmem:s14], [sflag:$0x1] =	stream.indirect_vreg.gather [hbm4b:s3+s2], $0x80, v4, vm0, $0xb8;
	[tilespmem:$0x8080] =	vst v63  }
0x3d: {  	_ = 	snop  }
0x3e: {  	[tilespmem:s15], [sflag:$0x1] =	stream.indirect_vreg.gather [hbm4b:s3+s2], $0x80, v3, vm0, $0xb8;
	[tilespmem:$0x8080] =	vst v63  }
0x3f: {  	v3 =	vld [tilespmem:$0x40];
	_ =	sdelay $0x4  }
0x40: {  	v60 =	vshll.u32 v3, $0x1  }
0x41: {  	v3 =	vand.u32 $0x7, v3;
	v4 =	vand.u32 $0xFFFFFFF0, v60  }
0x42: {  	v3 =	vor.u32 v3, v4  }
0x43: {  	v4 =	vperm.xlane v3, v0;
	_ =	sdelay $0x1  }
0x44: {  	v3 =	vperm.xlane v3, v2;
	v4 =	vadd.s32 v1, v4;
	_ =	sdelay $0x1  }
0x45: {  	v3 =	vadd.s32 v1, v3;
	_ =	sdelay $0x2  }
0x46: {  	[tilespmem:s16], [sflag:$0x1] =	stream.indirect_vreg.gather [hbm4b:s3+s2], $0x80, v4, vm0, $0xb8;
	[tilespmem:$0x8080] =	vst v63  }
0x47: {  	_ = 	snop  }
0x48: {  	[tilespmem:s17], [sflag:$0x1] =	stream.indirect_vreg.gather [hbm4b:s3+s2], $0x80, v3, vm0, $0xb8;
	[tilespmem:$0x8080] =	vst v63  }
0x49: {  	v3 =	vld [tilespmem:$0x50];
	_ =	sdelay $0x4  }
0x4a: {  	v61 =	vshll.u32 v3, $0x1  }
0x4b: {  	v3 =	vand.u32 $0x7, v3;
	v4 =	vand.u32 $0xFFFFFFF0, v61  }
0x4c: {  	v3 =	vor.u32 v3, v4  }
0x4d: {  	v4 =	vperm.xlane v3, v0;
	_ =	sdelay $0x1  }
0x4e: {  	v3 =	vperm.xlane v3, v2;
	v4 =	vadd.s32 v1, v4;
	_ =	sdelay $0x1  }
0x4f: {  	v3 =	vadd.s32 v1, v3;
	_ =	sdelay $0x2  }
0x50: {  	[tilespmem:s18], [sflag:$0x1] =	stream.indirect_vreg.gather [hbm4b:s3+s2], $0x80, v4, vm0, $0xb8;
	[tilespmem:$0x8080] =	vst v63  }
0x51: {  	_ = 	snop  }
0x52: {  	[tilespmem:s19], [sflag:$0x1] =	stream.indirect_vreg.gather [hbm4b:s3+s2], $0x80, v3, vm0, $0xb8;
	[tilespmem:$0x8080] =	vst v63  }
0x53: {  	v3 =	vld [tilespmem:$0x60];
	_ =	sdelay $0x4  }
0x54: {  	v62 =	vshll.u32 v3, $0x1  }
0x55: {  	v3 =	vand.u32 $0x7, v3;
	v4 =	vand.u32 $0xFFFFFFF0, v62  }
0x56: {  	v3 =	vor.u32 v3, v4  }
0x57: {  	v4 =	vperm.xlane v3, v0;
	_ =	sdelay $0x1  }
0x58: {  	v3 =	vperm.xlane v3, v2;
	v4 =	vadd.s32 v1, v4;
	_ =	sdelay $0x1  }
0x59: {  	v3 =	vadd.s32 v1, v3;
	_ =	sdelay $0x2  }
0x5a: {  	[tilespmem:s20], [sflag:$0x1] =	stream.indirect_vreg.gather [hbm4b:s3+s2], $0x80, v4, vm0, $0xb8;
	[tilespmem:$0x8080] =	vst v63  }
0x5b: {  	_ = 	snop  }
0x5c: {  	[tilespmem:s21], [sflag:$0x1] =	stream.indirect_vreg.gather [hbm4b:s3+s2], $0x80, v3, vm0, $0xb8;
	[tilespmem:$0x8080] =	vst v63  }
0x5d: {  	v3 =	vld [tilespmem:$0x70];
	_ =	sdelay $0x4  }
0x5e: {  	v63 =	vshll.u32 v3, $0x1  }
0x5f: {  	v3 =	vand.u32 $0x7, v3;
	v4 =	vand.u32 $0xFFFFFFF0, v63  }
0x60: {  	v3 =	vor.u32 v3, v4  }
0x61: {  	v4 =	vperm.xlane v3, v0;
	_ =	sdelay $0x1  }
0x62: {  	v3 =	vperm.xlane v3, v2;
	v4 =	vadd.s32 v1, v4;
	_ =	sdelay $0x1  }
0x63: {  	v3 =	vadd.s32 v1, v3;
	_ =	sdelay $0x2  }
0x64: {  	[tilespmem:s22], [sflag:$0x1] =	stream.indirect_vreg.gather [hbm4b:s3+s2], $0x80, v4, vm0, $0xb8;
	[tilespmem:$0x8080] =	vst v63  }
0x65: {  	_ = 	snop  }
0x66: {  	[tilespmem:s23], [sflag:$0x1] =	stream.indirect_vreg.gather [hbm4b:s3+s2], $0x80, v3, vm0, $0xb8;
	[tilespmem:$0x8080] =	vst v63  }
0x67: {  	_ =	swait.ge [sflag:s24], $0x8000  }
0x68: {  	p0 =	sne.s32 s28, $0x110;
	[sflag:s24] =	ssyncset.done $0x0  }
.Ltmp0:
0x69: {  	[sflag:s24] =	ssyncadd.s32 $0xFFFF8000;
	(pc) =	sbr.rel @p0 .LBB2_2-.Ltmp0, $4  }
0x6a: {  	[hbm4b:s26+s2] =	stream.linear.scatter [tilespmem:s8], [sflag:$0x2], $0x8000, $0x38;
	[tilespmem:$0x8080] =	vst v63  }
0x6b: {  	_ =	swait.ge [sflag:s7], $0x8000  }
0x6c: {  	[sflag:s7] =	ssyncset.done $0x0  }
0x6d: {  	s28 =	sadd.s32 $0x10, s28;
	s26 =	sadd.s32 $0x1000, s26;
	[sflag:s7] =	ssyncadd.s32 $0xFFFF8000  }
0x6e: {  	s25 =	sadd.s32 $0x1, s25  }
0x6f: {  	p0 =	sne.s32 s25, s4  }
.Ltmp1:
0x70: {  	_ = 	snop;
	(pc) =	sbr.rel @p0 .LBB2_1-.Ltmp1, $1  }
0x71: {  	_ =	sdelay $0x3  }
0x72: {  	_ =	sfence.sel $0x180000  }
0x73: {  	[bflag:$0x0] =	sbarrier.arrive $0xFFFF  }
0x74: {  	p0 =	sne.s32 s1, $0x0;
	_ =	strace $0x90000047  }
0x75: {  	s0 =	sadd.s32 @!p0 $0x100000, s0;
	[bflag:$0x2] =	sbarrier.arrive $0xFFFF  }
0x76: {  	[sflag:s0] =	ssyncadd.tile.s32 @!p0 $0x1;
	_ =	shalt  }
.Lfunc_end2:
_tile_overlayer_lowered:
.L_overlay_start_2:
0x77: {  	(tag) =	ssettag $0x2  }
0x78: {  	s0 =	rddreg [dreg:$0x0];
	s2 =	stileid.u32  }
0x79: {  	s1 =	rddreg [dreg:$0x1];
	p0 =	sne.s32 s2, $0x0  }
0x7a: {  	s3 =	rddreg [dreg:$0x2];
	[bflag:$0x3] =	sbarrier.arrive $0xFFFF;
	s2 =	simm.s32 @!p0 $0x1C02  }
0x7b: {  	[timem:s3], [sflag:s2] =	dma.local @!p0 [hbm:s0], s1  }
0x7c: {  	s0 =	simm.s32 @!p0 $0x2  }
0x7d: {  	_ =	swait.ge @!p0 [sflag:s0], s1  }
0x7e: {  	s1 =	ssub.s32 @!p0 $0x0, s1;
	[sflag:s0] =	ssyncset.done @!p0 $0x0  }
0x7f: {  	[sflag:s0] =	ssyncadd.s32 @!p0 s1  }
0x80: {  	[bflag:$0x3] =	sbarrier.arrive $0xFFFF  }
0x81: {  	_ =	shalt  }

</sc_bundles>
